<compile_context>
chip_gen: v7x
topology: tpu7x:2x2x1
jax: 0.10.2.dev20260603
libtpu: 0.0.44.dev20260713+nightly
codegen_flags: <defaults>
</compile_context>

<pallas_src>
import functools

import jax
import jax.numpy as jnp
from jax.experimental import pallas as pl
from jax.experimental.pallas import tpu as pltpu

_RPN_BBOX_STD_DEV = (0.1, 0.1, 0.2, 0.2)
_PRE_NMS_LIMIT = 6000
_PROPOSAL_COUNT = 1000
_NMS_THRESHOLD = 0.7

_PAD_N = 6144
_ROWS = _PAD_N // 128
_OUT_ROWS = 1008


def _nms_body(sw_ref, a_ref, d_ref, out_ref):
    ay1 = a_ref[0, 0]
    ax1 = a_ref[0, 1]
    ay2 = a_ref[0, 2]
    ax2 = a_ref[0, 3]
    dy = d_ref[0, 0]
    dx = d_ref[0, 1]
    dh = d_ref[0, 2]
    dw = d_ref[0, 3]

    height = ay2 - ay1
    width = ax2 - ax1
    center_y = (ay1 + 0.5 * height) + dy * height
    center_x = (ax1 + 0.5 * width) + dx * width
    height = height * jnp.exp(dh)
    width = width * jnp.exp(dw)
    y1 = center_y - 0.5 * height
    x1 = center_x - 0.5 * width
    y2 = y1 + height
    x2 = x1 + width
    y1 = jnp.clip(y1, 0.0, 1.0)
    x1 = jnp.clip(x1, 0.0, 1.0)
    y2 = jnp.clip(y2, 0.0, 1.0)
    x2 = jnp.clip(x2, 0.0, 1.0)
    areas = (y2 - y1) * (x2 - x1)

    pos = (jax.lax.broadcasted_iota(jnp.int32, (_ROWS, 128), 0) * 128
           + jax.lax.broadcasted_iota(jnp.int32, (_ROWS, 128), 1))
    lane = jax.lax.broadcasted_iota(jnp.int32, (1, 128), 1)
    neg_inf = jnp.float32(-jnp.inf)
    big = jnp.int32(1 << 30)

    def body(i, sw):
        m = jnp.max(sw)
        valid = m > neg_inf
        idx = jnp.min(jnp.where(sw == m, pos, big))
        msk = pos == idx
        by1 = jnp.sum(jnp.where(msk, y1, 0.0))
        bx1 = jnp.sum(jnp.where(msk, x1, 0.0))
        by2 = jnp.sum(jnp.where(msk, y2, 0.0))
        bx2 = jnp.sum(jnp.where(msk, x2, 0.0))
        barea = jnp.sum(jnp.where(msk, areas, 0.0))
        yy1 = jnp.maximum(by1, y1)
        xx1 = jnp.maximum(bx1, x1)
        yy2 = jnp.minimum(by2, y2)
        xx2 = jnp.minimum(bx2, x2)
        inter = jnp.maximum(yy2 - yy1, 0.0) * jnp.maximum(xx2 - xx1, 0.0)
        union = (barea + areas) - inter
        iou = inter / jnp.maximum(union, 1e-8)
        sw = jnp.where((valid & (iou > _NMS_THRESHOLD)) | msk, neg_inf, sw)
        vmask = jnp.where(valid, 1.0, 0.0).astype(jnp.float32)
        row = (jnp.where(lane == 0, by1, 0.0)
               + jnp.where(lane == 1, bx1, 0.0)
               + jnp.where(lane == 2, by2, 0.0)
               + jnp.where(lane == 3, bx2, 0.0)) * vmask
        out_ref[0, pl.ds(i, 1), :] = row
        return sw

    jax.lax.fori_loop(0, _PROPOSAL_COUNT, body, sw_ref[0], unroll=False)


@jax.jit
def kernel(rpn_probs, rpn_bbox, anchors):
    batch, n, _ = anchors.shape
    scores = rpn_probs[:, :, 1]
    std = jnp.asarray(_RPN_BBOX_STD_DEV, jnp.float32).reshape(1, 1, 4)
    deltas = rpn_bbox * std

    top_scores, ix = jax.lax.top_k(scores, _PRE_NMS_LIMIT)
    deltas_g = jnp.take_along_axis(deltas, ix[:, :, None], axis=1)
    anchors_g = jnp.take_along_axis(anchors, ix[:, :, None], axis=1)

    pad = _PAD_N - _PRE_NMS_LIMIT
    sw0 = jnp.concatenate(
        [top_scores, jnp.full((batch, pad), -jnp.inf, jnp.float32)], axis=1
    ).reshape(batch, _ROWS, 128)
    zpad = jnp.zeros((batch, pad, 4), jnp.float32)
    a4 = jnp.concatenate([anchors_g, zpad], axis=1)
    d4 = jnp.concatenate([deltas_g, zpad], axis=1)
    a4 = a4.transpose(0, 2, 1).reshape(batch, 4, _ROWS, 128)
    d4 = d4.transpose(0, 2, 1).reshape(batch, 4, _ROWS, 128)

    out = pl.pallas_call(
        _nms_body,
        grid=(batch,),
        in_specs=[
            pl.BlockSpec((1, _ROWS, 128), lambda b: (b, 0, 0)),
            pl.BlockSpec((1, 4, _ROWS, 128), lambda b: (b, 0, 0, 0)),
            pl.BlockSpec((1, 4, _ROWS, 128), lambda b: (b, 0, 0, 0)),
        ],
        out_specs=pl.BlockSpec((1, _OUT_ROWS, 128), lambda b: (b, 0, 0)),
        out_shape=jax.ShapeDtypeStruct((batch, _OUT_ROWS, 128), jnp.float32),
        compiler_params=pltpu.CompilerParams(
            dimension_semantics=("arbitrary",),
        ),
    )(sw0, a4, d4)
    return out[:, :_PROPOSAL_COUNT, :4]

# --- scband reference (transcript-rebuilt; emitter-appended) ---
"""Pipeline reference for scband-proposal-layer-74320114090263 (READ-ONLY COPY).

The authoritative reference and input builder live on the scoring server;
editing this copy changes nothing except your own understanding.
"""

import jax, jax.numpy as jnp
import numpy as np

RPN_BBOX_STD_DEV = np.array([0.1, 0.1, 0.2, 0.2], dtype=np.float32)
PRE_NMS_LIMIT = 6000
PROPOSAL_COUNT = 1000
NMS_THRESHOLD = 0.7


def setup_inputs(seed: int = 0) -> dict:
    key = jax.random.key(seed)
    k1, k2, k3 = jax.random.split(key, 3)
    rpn_probs = jax.random.uniform(k1, (2, 261888, 2), dtype=jnp.float32)
    rpn_bbox = jax.random.normal(k2, (2, 261888, 4), dtype=jnp.float32)
    anchors = jax.random.uniform(k3, (2, 261888, 4), dtype=jnp.float32)
    return {"rpn_probs": rpn_probs, "rpn_bbox": rpn_bbox, "anchors": anchors}


def _apply_box_deltas(boxes, deltas):
    height = boxes[:, 2] - boxes[:, 0]
    width = boxes[:, 3] - boxes[:, 1]
    center_y = boxes[:, 0] + 0.5 * height
    center_x = boxes[:, 1] + 0.5 * width
    center_y = center_y + deltas[:, 0] * height
    center_x = center_x + deltas[:, 1] * width
    height = height * jnp.exp(deltas[:, 2])
    width = width * jnp.exp(deltas[:, 3])
    y1 = center_y - 0.5 * height
    x1 = center_x - 0.5 * width
    y2 = y1 + height
    x2 = x1 + width
    return jnp.stack([y1, x1, y2, x2], axis=1)


def _clip_boxes(boxes):
    y1 = jnp.clip(boxes[:, 0], 0.0, 1.0)
    x1 = jnp.clip(boxes[:, 1], 0.0, 1.0)
    y2 = jnp.clip(boxes[:, 2], 0.0, 1.0)
    x2 = jnp.clip(boxes[:, 3], 0.0, 1.0)
    return jnp.stack([y1, x1, y2, x2], axis=1)


def _nms_indices(boxes, scores):
    n = boxes.shape[0]
    y1, x1, y2, x2 = boxes[:, 0], boxes[:, 1], boxes[:, 2], boxes[:, 3]
    areas = (y2 - y1) * (x2 - x1)

    def body(i, state):
        sw, sel = state
        idx = jnp.argmax(sw)
        valid = sw[idx] > -jnp.inf
        sel = sel.at[i].set(jnp.where(valid, idx.astype(jnp.int32), jnp.int32(n)))
        b = boxes[idx]
        yy1 = jnp.maximum(b[0], y1)
        xx1 = jnp.maximum(b[1], x1)
        yy2 = jnp.minimum(b[2], y2)
        xx2 = jnp.minimum(b[3], x2)
        inter = jnp.maximum(yy2 - yy1, 0.0) * jnp.maximum(xx2 - xx1, 0.0)
        union = areas[idx] + areas - inter
        iou = inter / jnp.maximum(union, 1e-8)
        suppress = (iou > NMS_THRESHOLD) & valid
        sw = jnp.where(suppress, -jnp.inf, sw)
        sw = sw.at[idx].set(-jnp.inf)
        return sw, sel

    init = (scores, jnp.full((PROPOSAL_COUNT,), n, dtype=jnp.int32))
    _, sel = jax.lax.fori_loop(0, PROPOSAL_COUNT, body, init)
    return sel


def _forward(rpn_probs, rpn_bbox, anchors):
    scores = rpn_probs[:, :, 1]
    deltas = rpn_bbox * jnp.asarray(RPN_BBOX_STD_DEV).reshape(1, 1, 4)
    pre_nms_limit = min(PRE_NMS_LIMIT, anchors.shape[1])
    top_scores, ix = jax.lax.top_k(scores, pre_nms_limit)
    deltas_g = jnp.take_along_axis(deltas, ix[:, :, None], axis=1)
    anchors_g = jnp.take_along_axis(anchors, ix[:, :, None], axis=1)
    boxes = jax.vmap(_apply_box_deltas)(anchors_g, deltas_g)
    boxes = jax.vmap(_clip_boxes)(boxes)
    sel = jax.vmap(_nms_indices)(jax.lax.stop_gradient(boxes), jax.lax.stop_gradient(top_scores))
    boxes_pad = jnp.concatenate([boxes, jnp.zeros((boxes.shape[0], 1, 4), dtype=boxes.dtype)], axis=1)
    proposals = jnp.take_along_axis(boxes_pad, sel[:, :, None], axis=1)
    return proposals


def reference(rpn_probs, rpn_bbox, anchors):
    return _forward(rpn_probs, rpn_bbox, anchors)

if __name__ == "__main__":
    import jax
    _d = setup_inputs()
    print(jax.jit(kernel)(*tuple(_d.values())))

</pallas_src>

<mosaic_0001>
module attributes {stable_mosaic.version = 14 : i64} {
  func.func @_nms_body(%arg0: i32, %arg1: memref<1x48x128xf32, #tpu.memory_space<vmem>>, %arg2: memref<1x4x48x128xf32, #tpu.memory_space<vmem>>, %arg3: memref<1x4x48x128xf32, #tpu.memory_space<vmem>>, %arg4: memref<1x1008x128xf32, #tpu.memory_space<vmem>>) attributes {dimension_semantics = [#tpu.dimension_semantics<arbitrary>], iteration_bounds = array<i64: 2>, scalar_prefetch = 0 : i64, scratch_operands = 0 : i64, tpu.core_type = #tpu.core_type<tc>, window_params = [{transform_indices = @transform_0, window_bounds = array<i64: 1, 48, 128>}, {transform_indices = @transform_1, window_bounds = array<i64: 1, 4, 48, 128>}, {transform_indices = @transform_2, window_bounds = array<i64: 1, 4, 48, 128>}, {transform_indices = @transform_3, window_bounds = array<i64: 1, 1008, 128>}]} {
    %get3A = arith.constant 0 : index
    %get3A_0 = arith.constant 0 : index
    %get3A_1 = arith.constant 0 : index
    %get3A_2 = arith.constant 0 : index
    %get3A_3 = vector.load %arg2[%get3A, %get3A_0, %get3A_1, %get3A_2] : memref<1x4x48x128xf32, #tpu.memory_space<vmem>>, vector<1x1x48x128xf32>
    %get3A_4 = vector.shape_cast %get3A_3 : vector<1x1x48x128xf32> to vector<48x128xf32>
    %get3A_5 = arith.constant 0 : index
    %get3A_6 = arith.constant 1 : index
    %get3A_7 = arith.constant 0 : index
    %get3A_8 = arith.constant 0 : index
    %get3A_9 = vector.load %arg2[%get3A_5, %get3A_6, %get3A_7, %get3A_8] : memref<1x4x48x128xf32, #tpu.memory_space<vmem>>, vector<1x1x48x128xf32>
    %get3A_10 = vector.shape_cast %get3A_9 : vector<1x1x48x128xf32> to vector<48x128xf32>
    %get3A_11 = arith.constant 0 : index
    %get3A_12 = arith.constant 2 : index
    %get3A_13 = arith.constant 0 : index
    %get3A_14 = arith.constant 0 : index
    %get3A_15 = vector.load %arg2[%get3A_11, %get3A_12, %get3A_13, %get3A_14] : memref<1x4x48x128xf32, #tpu.memory_space<vmem>>, vector<1x1x48x128xf32>
    %get3A_16 = vector.shape_cast %get3A_15 : vector<1x1x48x128xf32> to vector<48x128xf32>
    %get3A_17 = arith.constant 0 : index
    %get3A_18 = arith.constant 3 : index
    %get3A_19 = arith.constant 0 : index
    %get3A_20 = arith.constant 0 : index
    %get3A_21 = vector.load %arg2[%get3A_17, %get3A_18, %get3A_19, %get3A_20] : memref<1x4x48x128xf32, #tpu.memory_space<vmem>>, vector<1x1x48x128xf32>
    %get3A_22 = vector.shape_cast %get3A_21 : vector<1x1x48x128xf32> to vector<48x128xf32>
    %get3A_23 = arith.constant 0 : index
    %get3A_24 = arith.constant 0 : index
    %get3A_25 = arith.constant 0 : index
    %get3A_26 = arith.constant 0 : index
    %get3A_27 = vector.load %arg3[%get3A_23, %get3A_24, %get3A_25, %get3A_26] : memref<1x4x48x128xf32, #tpu.memory_space<vmem>>, vector<1x1x48x128xf32>
    %get3A_28 = vector.shape_cast %get3A_27 : vector<1x1x48x128xf32> to vector<48x128xf32>
    %get3A_29 = arith.constant 0 : index
    %get3A_30 = arith.constant 1 : index
    %get3A_31 = arith.constant 0 : index
    %get3A_32 = arith.constant 0 : index
    %get3A_33 = vector.load %arg3[%get3A_29, %get3A_30, %get3A_31, %get3A_32] : memref<1x4x48x128xf32, #tpu.memory_space<vmem>>, vector<1x1x48x128xf32>
    %get3A_34 = vector.shape_cast %get3A_33 : vector<1x1x48x128xf32> to vector<48x128xf32>
    %get3A_35 = arith.constant 0 : index
    %get3A_36 = arith.constant 2 : index
    %get3A_37 = arith.constant 0 : index
    %get3A_38 = arith.constant 0 : index
    %get3A_39 = vector.load %arg3[%get3A_35, %get3A_36, %get3A_37, %get3A_38] : memref<1x4x48x128xf32, #tpu.memory_space<vmem>>, vector<1x1x48x128xf32>
    %get3A_40 = vector.shape_cast %get3A_39 : vector<1x1x48x128xf32> to vector<48x128xf32>
    %get3A_41 = arith.constant 0 : index
    %get3A_42 = arith.constant 3 : index
    %get3A_43 = arith.constant 0 : index
    %get3A_44 = arith.constant 0 : index
    %get3A_45 = vector.load %arg3[%get3A_41, %get3A_42, %get3A_43, %get3A_44] : memref<1x4x48x128xf32, #tpu.memory_space<vmem>>, vector<1x1x48x128xf32>
    %get3A_46 = vector.shape_cast %get3A_45 : vector<1x1x48x128xf32> to vector<48x128xf32>
    %sub3A = arith.subf %get3A_16, %get3A_4 : vector<48x128xf32>
    %sub3A_47 = arith.subf %get3A_22, %get3A_10 : vector<48x128xf32>
    %mul3A = arith.constant 5.000000e-01 : f32
    %mul3A_48 = vector.broadcast %mul3A : f32 to vector<48x128xf32>
    %mul3A_49 = arith.mulf %mul3A_48, %sub3A : vector<48x128xf32>
    %add3A = arith.addf %get3A_4, %mul3A_49 : vector<48x128xf32>
    %mul3A_50 = arith.mulf %get3A_28, %sub3A : vector<48x128xf32>
    %add3A_51 = arith.addf %add3A, %mul3A_50 : vector<48x128xf32>
    %mul3A_52 = arith.constant 5.000000e-01 : f32
    %mul3A_53 = vector.broadcast %mul3A_52 : f32 to vector<48x128xf32>
    %mul3A_54 = arith.mulf %mul3A_53, %sub3A_47 : vector<48x128xf32>
    %add3A_55 = arith.addf %get3A_10, %mul3A_54 : vector<48x128xf32>
    %mul3A_56 = arith.mulf %get3A_34, %sub3A_47 : vector<48x128xf32>
    %add3A_57 = arith.addf %add3A_55, %mul3A_56 : vector<48x128xf32>
    %exp3A = math.exp %get3A_40 : vector<48x128xf32>
    %mul3A_58 = arith.mulf %sub3A, %exp3A : vector<48x128xf32>
    %exp3A_59 = math.exp %get3A_46 : vector<48x128xf32>
    %mul3A_60 = arith.mulf %sub3A_47, %exp3A_59 : vector<48x128xf32>
    %mul3A_61 = arith.constant 5.000000e-01 : f32
    %mul3A_62 = vector.broadcast %mul3A_61 : f32 to vector<48x128xf32>
    %mul3A_63 = arith.mulf %mul3A_62, %mul3A_58 : vector<48x128xf32>
    %sub3A_64 = arith.subf %add3A_51, %mul3A_63 : vector<48x128xf32>
    %mul3A_65 = arith.constant 5.000000e-01 : f32
    %mul3A_66 = vector.broadcast %mul3A_65 : f32 to vector<48x128xf32>
    %mul3A_67 = arith.mulf %mul3A_66, %mul3A_60 : vector<48x128xf32>
    %sub3A_68 = arith.subf %add3A_57, %mul3A_67 : vector<48x128xf32>
    %add3A_69 = arith.addf %sub3A_64, %mul3A_58 : vector<48x128xf32>
    %add3A_70 = arith.addf %sub3A_68, %mul3A_60 : vector<48x128xf32>
    %jit3A = arith.constant 0.000000e+00 : f32
    %jit3A_71 = arith.constant 1.000000e+00 : f32
    %max3A = vector.broadcast %jit3A : f32 to vector<48x128xf32>
    %max3A_72 = arith.maximumf %max3A, %sub3A_64 : vector<48x128xf32>
    %min3A = vector.broadcast %jit3A_71 : f32 to vector<48x128xf32>
    %min3A_73 = arith.minimumf %min3A, %max3A_72 : vector<48x128xf32>
    %jit3A_74 = arith.constant 0.000000e+00 : f32
    %jit3A_75 = arith.constant 1.000000e+00 : f32
    %max3A_76 = vector.broadcast %jit3A_74 : f32 to vector<48x128xf32>
    %max3A_77 = arith.maximumf %max3A_76, %sub3A_68 : vector<48x128xf32>
    %min3A_78 = vector.broadcast %jit3A_75 : f32 to vector<48x128xf32>
    %min3A_79 = arith.minimumf %min3A_78, %max3A_77 : vector<48x128xf32>
    %jit3A_80 = arith.constant 0.000000e+00 : f32
    %jit3A_81 = arith.constant 1.000000e+00 : f32
    %max3A_82 = vector.broadcast %jit3A_80 : f32 to vector<48x128xf32>
    %max3A_83 = arith.maximumf %max3A_82, %add3A_69 : vector<48x128xf32>
    %min3A_84 = vector.broadcast %jit3A_81 : f32 to vector<48x128xf32>
    %min3A_85 = arith.minimumf %min3A_84, %max3A_83 : vector<48x128xf32>
    %jit3A_86 = arith.constant 0.000000e+00 : f32
    %jit3A_87 = arith.constant 1.000000e+00 : f32
    %max3A_88 = vector.broadcast %jit3A_86 : f32 to vector<48x128xf32>
    %max3A_89 = arith.maximumf %max3A_88, %add3A_70 : vector<48x128xf32>
    %min3A_90 = vector.broadcast %jit3A_87 : f32 to vector<48x128xf32>
    %min3A_91 = arith.minimumf %min3A_90, %max3A_89 : vector<48x128xf32>
    %sub3A_92 = arith.subf %min3A_85, %min3A_73 : vector<48x128xf32>
    %sub3A_93 = arith.subf %min3A_91, %min3A_79 : vector<48x128xf32>
    %mul3A_94 = arith.mulf %sub3A_92, %sub3A_93 : vector<48x128xf32>
    %iota3A = tpu.iota {dimensions = array<i32: 0>} : vector<48x128xi32>
    %mul3A_95 = arith.constant 128 : i32
    %mul3A_96 = vector.broadcast %mul3A_95 : i32 to vector<48x128xi32>
    %mul3A_97 = arith.muli %iota3A, %mul3A_96 : vector<48x128xi32>
    %iota3A_98 = tpu.iota {dimensions = array<i32: 1>} : vector<48x128xi32>
    %add3A_99 = arith.addi %mul3A_97, %iota3A_98 : vector<48x128xi32>
    %iota3A_100 = tpu.iota {dimensions = array<i32: 1>} : vector<1x128xi32>
    %get3A_101 = arith.constant 0 : index
    %get3A_102 = arith.constant 0 : index
    %get3A_103 = arith.constant 0 : index
    %get3A_104 = vector.load %arg1[%get3A_101, %get3A_102, %get3A_103] : memref<1x48x128xf32, #tpu.memory_space<vmem>>, vector<1x48x128xf32>
    %get3A_105 = vector.shape_cast %get3A_104 : vector<1x48x128xf32> to vector<48x128xf32>
    %scan3A = arith.constant 0xFF800000 : f32
    %scan3A_106 = arith.constant 1073741824 : i32
    %scan3A_107 = arith.constant 0 : i32
    %scan3A_108 = arith.constant 1000 : i32
    %scan3A_109 = arith.addi %scan3A_107, %scan3A_108 : i32
    %scan3A_110 = arith.constant 1 : i32
    %scan3A_111 = scf.for %scan3A_113 = %scan3A_107 to %scan3A_109 step %scan3A_110 iter_args(%scan3A_114 = %get3A_105) -> (vector<48x128xf32>)  : i32 {
      %reduce_max3A = vector.shape_cast %scan3A_114 : vector<48x128xf32> to vector<1x48x128xf32>
      %reduce_max3A_115 = arith.constant dense<0xFF800000> : vector<1xf32>
      %reduce_max3A_116 = vector.multi_reduction <maximumf>, %reduce_max3A, %reduce_max3A_115 [1, 2] : vector<1x48x128xf32> to vector<1xf32>
      %reduce_max3A_117 = vector.shape_cast %reduce_max3A_116 : vector<1xf32> to vector<1x1x1xf32>
      %reduce_max3A_118 = vector.extract %reduce_max3A_117[0, 0, 0] : f32 from vector<1x1x1xf32>
      %gt3A = arith.cmpf ogt, %reduce_max3A_118, %scan3A : f32
      %eq3A = vector.broadcast %reduce_max3A_118 : f32 to vector<48x128xf32>
      %eq3A_119 = arith.cmpf oeq, %scan3A_114, %eq3A : vector<48x128xf32>
      %broadcast_in_dim3A = vector.broadcast %scan3A_106 : i32 to vector<48x128xi32>
      %select_n3A = arith.select %eq3A_119, %add3A_99, %broadcast_in_dim3A : vector<48x128xi1>, vector<48x128xi32>
      %reduce_min3A = vector.shape_cast %select_n3A : vector<48x128xi32> to vector<1x48x128xi32>
      %reduce_min3A_120 = arith.constant dense<2147483647> : vector<1xi32>
      %reduce_min3A_121 = vector.multi_reduction <minsi>, %reduce_min3A, %reduce_min3A_120 [1, 2] : vector<1x48x128xi32> to vector<1xi32>
      %reduce_min3A_122 = vector.shape_cast %reduce_min3A_121 : vector<1xi32> to vector<1x1x1xi32>
      %reduce_min3A_123 = vector.extract %reduce_min3A_122[0, 0, 0] : i32 from vector<1x1x1xi32>
      %eq3A_124 = vector.broadcast %reduce_min3A_123 : i32 to vector<48x128xi32>
      %eq3A_125 = arith.cmpi eq, %add3A_99, %eq3A_124 : vector<48x128xi32>
      %jit3A_126 = arith.constant 0.000000e+00 : f32
      %broadcast_in_dim3A_127 = vector.broadcast %jit3A_126 : f32 to vector<48x128xf32>
      %select_n3A_128 = arith.select %eq3A_125, %min3A_73, %broadcast_in_dim3A_127 : vector<48x128xi1>, vector<48x128xf32>
      %reduce_sum3A = vector.shape_cast %select_n3A_128 : vector<48x128xf32> to vector<1x48x128xf32>
      %reduce_sum3A_129 = arith.constant dense<0.000000e+00> : vector<1xf32>
      %reduce_sum3A_130 = vector.multi_reduction <add>, %reduce_sum3A, %reduce_sum3A_129 [1, 2] : vector<1x48x128xf32> to vector<1xf32>
      %reduce_sum3A_131 = vector.shape_cast %reduce_sum3A_130 : vector<1xf32> to vector<1x1x1xf32>
      %reduce_sum3A_132 = vector.extract %reduce_sum3A_131[0, 0, 0] : f32 from vector<1x1x1xf32>
      %jit3A_133 = arith.constant 0.000000e+00 : f32
      %broadcast_in_dim3A_134 = vector.broadcast %jit3A_133 : f32 to vector<48x128xf32>
      %select_n3A_135 = arith.select %eq3A_125, %min3A_79, %broadcast_in_dim3A_134 : vector<48x128xi1>, vector<48x128xf32>
      %reduce_sum3A_136 = vector.shape_cast %select_n3A_135 : vector<48x128xf32> to vector<1x48x128xf32>
      %reduce_sum3A_137 = arith.constant dense<0.000000e+00> : vector<1xf32>
      %reduce_sum3A_138 = vector.multi_reduction <add>, %reduce_sum3A_136, %reduce_sum3A_137 [1, 2] : vector<1x48x128xf32> to vector<1xf32>
      %reduce_sum3A_139 = vector.shape_cast %reduce_sum3A_138 : vector<1xf32> to vector<1x1x1xf32>
      %reduce_sum3A_140 = vector.extract %reduce_sum3A_139[0, 0, 0] : f32 from vector<1x1x1xf32>
      %jit3A_141 = arith.constant 0.000000e+00 : f32
      %broadcast_in_dim3A_142 = vector.broadcast %jit3A_141 : f32 to vector<48x128xf32>
      %select_n3A_143 = arith.select %eq3A_125, %min3A_85, %broadcast_in_dim3A_142 : vector<48x128xi1>, vector<48x128xf32>
      %reduce_sum3A_144 = vector.shape_cast %select_n3A_143 : vector<48x128xf32> to vector<1x48x128xf32>
      %reduce_sum3A_145 = arith.constant dense<0.000000e+00> : vector<1xf32>
      %reduce_sum3A_146 = vector.multi_reduction <add>, %reduce_sum3A_144, %reduce_sum3A_145 [1, 2] : vector<1x48x128xf32> to vector<1xf32>
      %reduce_sum3A_147 = vector.shape_cast %reduce_sum3A_146 : vector<1xf32> to vector<1x1x1xf32>
      %reduce_sum3A_148 = vector.extract %reduce_sum3A_147[0, 0, 0] : f32 from vector<1x1x1xf32>
      %jit3A_149 = arith.constant 0.000000e+00 : f32
      %broadcast_in_dim3A_150 = vector.broadcast %jit3A_149 : f32 to vector<48x128xf32>
      %select_n3A_151 = arith.select %eq3A_125, %min3A_91, %broadcast_in_dim3A_150 : vector<48x128xi1>, vector<48x128xf32>
      %reduce_sum3A_152 = vector.shape_cast %select_n3A_151 : vector<48x128xf32> to vector<1x48x128xf32>
      %reduce_sum3A_153 = arith.constant dense<0.000000e+00> : vector<1xf32>
      %reduce_sum3A_154 = vector.multi_reduction <add>, %reduce_sum3A_152, %reduce_sum3A_153 [1, 2] : vector<1x48x128xf32> to vector<1xf32>
      %reduce_sum3A_155 = vector.shape_cast %reduce_sum3A_154 : vector<1xf32> to vector<1x1x1xf32>
      %reduce_sum3A_156 = vector.extract %reduce_sum3A_155[0, 0, 0] : f32 from vector<1x1x1xf32>
      %jit3A_157 = arith.constant 0.000000e+00 : f32
      %broadcast_in_dim3A_158 = vector.broadcast %jit3A_157 : f32 to vector<48x128xf32>
      %select_n3A_159 = arith.select %eq3A_125, %mul3A_94, %broadcast_in_dim3A_158 : vector<48x128xi1>, vector<48x128xf32>
      %reduce_sum3A_160 = vector.shape_cast %select_n3A_159 : vector<48x128xf32> to vector<1x48x128xf32>
      %reduce_sum3A_161 = arith.constant dense<0.000000e+00> : vector<1xf32>
      %reduce_sum3A_162 = vector.multi_reduction <add>, %reduce_sum3A_160, %reduce_sum3A_161 [1, 2] : vector<1x48x128xf32> to vector<1xf32>
      %reduce_sum3A_163 = vector.shape_cast %reduce_sum3A_162 : vector<1xf32> to vector<1x1x1xf32>
      %reduce_sum3A_164 = vector.extract %reduce_sum3A_163[0, 0, 0] : f32 from vector<1x1x1xf32>
      %max3A_165 = vector.broadcast %reduce_sum3A_132 : f32 to vector<48x128xf32>
      %max3A_166 = arith.maximumf %max3A_165, %min3A_73 : vector<48x128xf32>
      %max3A_167 = vector.broadcast %reduce_sum3A_140 : f32 to vector<48x128xf32>
      %max3A_168 = arith.maximumf %max3A_167, %min3A_79 : vector<48x128xf32>
      %min3A_169 = vector.broadcast %reduce_sum3A_148 : f32 to vector<48x128xf32>
      %min3A_170 = arith.minimumf %min3A_169, %min3A_85 : vector<48x128xf32>
      %min3A_171 = vector.broadcast %reduce_sum3A_156 : f32 to vector<48x128xf32>
      %min3A_172 = arith.minimumf %min3A_171, %min3A_91 : vector<48x128xf32>
      %sub3A_173 = arith.subf %min3A_170, %max3A_166 : vector<48x128xf32>
      %max3A_174 = arith.constant 0.000000e+00 : f32
      %max3A_175 = vector.broadcast %max3A_174 : f32 to vector<48x128xf32>
      %max3A_176 = arith.maximumf %sub3A_173, %max3A_175 : vector<48x128xf32>
      %sub3A_177 = arith.subf %min3A_172, %max3A_168 : vector<48x128xf32>
      %max3A_178 = arith.constant 0.000000e+00 : f32
      %max3A_179 = vector.broadcast %max3A_178 : f32 to vector<48x128xf32>
      %max3A_180 = arith.maximumf %sub3A_177, %max3A_179 : vector<48x128xf32>
      %mul3A_181 = arith.mulf %max3A_176, %max3A_180 : vector<48x128xf32>
      %add3A_182 = vector.broadcast %reduce_sum3A_164 : f32 to vector<48x128xf32>
      %add3A_183 = arith.addf %add3A_182, %mul3A_94 : vector<48x128xf32>
      %sub3A_184 = arith.subf %add3A_183, %mul3A_181 : vector<48x128xf32>
      %max3A_185 = arith.constant 9.99999993E-9 : f32
      %max3A_186 = vector.broadcast %max3A_185 : f32 to vector<48x128xf32>
      %max3A_187 = arith.maximumf %sub3A_184, %max3A_186 : vector<48x128xf32>
      %div3A = arith.divf %mul3A_181, %max3A_187 : vector<48x128xf32>
      %gt3A_188 = arith.constant 0.699999988 : f32
      %gt3A_189 = vector.broadcast %gt3A_188 : f32 to vector<48x128xf32>
      %gt3A_190 = arith.cmpf ogt, %div3A, %gt3A_189 : vector<48x128xf32>
      %and3A = vector.broadcast %gt3A : i1 to vector<48x128xi1>
      %and3A_191 = arith.andi %and3A, %gt3A_190 : vector<48x128xi1>
      %or3A = arith.ori %and3A_191, %eq3A_125 : vector<48x128xi1>
      %broadcast_in_dim3A_192 = vector.broadcast %scan3A : f32 to vector<48x128xf32>
      %select_n3A_193 = arith.select %or3A, %broadcast_in_dim3A_192, %scan3A_114 : vector<48x128xi1>, vector<48x128xf32>
      %jit3A_194 = arith.constant 1.000000e+00 : f32
      %jit3A_195 = arith.constant 0.000000e+00 : f32
      %select_n3A_196 = arith.select %gt3A, %jit3A_194, %jit3A_195 : f32
      %eq3A_197 = arith.constant 0 : i32
      %eq3A_198 = vector.broadcast %eq3A_197 : i32 to vector<1x128xi32>
      %eq3A_199 = arith.cmpi eq, %iota3A_100, %eq3A_198 : vector<1x128xi32>
      %jit3A_200 = arith.constant 0.000000e+00 : f32
      %broadcast_in_dim3A_201 = vector.broadcast %reduce_sum3A_132 : f32 to vector<1x128xf32>
      %broadcast_in_dim3A_202 = vector.broadcast %jit3A_200 : f32 to vector<1x128xf32>
      %select_n3A_203 = arith.select %eq3A_199, %broadcast_in_dim3A_201, %broadcast_in_dim3A_202 : vector<1x128xi1>, vector<1x128xf32>
      %eq3A_204 = arith.constant 1 : i32
      %eq3A_205 = vector.broadcast %eq3A_204 : i32 to vector<1x128xi32>
      %eq3A_206 = arith.cmpi eq, %iota3A_100, %eq3A_205 : vector<1x128xi32>
      %jit3A_207 = arith.constant 0.000000e+00 : f32
      %broadcast_in_dim3A_208 = vector.broadcast %reduce_sum3A_140 : f32 to vector<1x128xf32>
      %broadcast_in_dim3A_209 = vector.broadcast %jit3A_207 : f32 to vector<1x128xf32>
      %select_n3A_210 = arith.select %eq3A_206, %broadcast_in_dim3A_208, %broadcast_in_dim3A_209 : vector<1x128xi1>, vector<1x128xf32>
      %add3A_211 = arith.addf %select_n3A_203, %select_n3A_210 : vector<1x128xf32>
      %eq3A_212 = arith.constant 2 : i32
      %eq3A_213 = vector.broadcast %eq3A_212 : i32 to vector<1x128xi32>
      %eq3A_214 = arith.cmpi eq, %iota3A_100, %eq3A_213 : vector<1x128xi32>
      %jit3A_215 = arith.constant 0.000000e+00 : f32
      %broadcast_in_dim3A_216 = vector.broadcast %reduce_sum3A_148 : f32 to vector<1x128xf32>
      %broadcast_in_dim3A_217 = vector.broadcast %jit3A_215 : f32 to vector<1x128xf32>
      %select_n3A_218 = arith.select %eq3A_214, %broadcast_in_dim3A_216, %broadcast_in_dim3A_217 : vector<1x128xi1>, vector<1x128xf32>
      %add3A_219 = arith.addf %add3A_211, %select_n3A_218 : vector<1x128xf32>
      %eq3A_220 = arith.constant 3 : i32
      %eq3A_221 = vector.broadcast %eq3A_220 : i32 to vector<1x128xi32>
      %eq3A_222 = arith.cmpi eq, %iota3A_100, %eq3A_221 : vector<1x128xi32>
      %jit3A_223 = arith.constant 0.000000e+00 : f32
      %broadcast_in_dim3A_224 = vector.broadcast %reduce_sum3A_156 : f32 to vector<1x128xf32>
      %broadcast_in_dim3A_225 = vector.broadcast %jit3A_223 : f32 to vector<1x128xf32>
      %select_n3A_226 = arith.select %eq3A_222, %broadcast_in_dim3A_224, %broadcast_in_dim3A_225 : vector<1x128xi1>, vector<1x128xf32>
      %add3A_227 = arith.addf %add3A_219, %select_n3A_226 : vector<1x128xf32>
      %mul3A_228 = vector.broadcast %select_n3A_196 : f32 to vector<1x128xf32>
      %mul3A_229 = arith.mulf %add3A_227, %mul3A_228 : vector<1x128xf32>
      %swap3A = arith.constant 0 : index
      %swap3A_230 = arith.index_cast %scan3A_113 : i32 to index
      %swap3A_231 = arith.constant 0 : index
      %swap3A_232 = vector.load %arg4[%swap3A, %swap3A_230, %swap3A_231] : memref<1x1008x128xf32, #tpu.memory_space<vmem>>, vector<1x1x128xf32>
      %swap3A_233 = vector.shape_cast %swap3A_232 : vector<1x1x128xf32> to vector<1x128xf32>
      %swap3A_234 = vector.shape_cast %mul3A_229 : vector<1x128xf32> to vector<1x1x128xf32>
      tpu.vector_store %arg4[%swap3A, %swap3A_230, %swap3A_231], %swap3A_234 {strides = array<i32>} : memref<1x1008x128xf32, #tpu.memory_space<vmem>>, vector<1x1x128xf32>,
      scf.yield %select_n3A_193 : vector<48x128xf32>
    }
    %scan3A_112 = arith.constant 1000 : i32
    return
  }
  func.func @transform_0(%arg0: i32) -> (i32, i32, i32) {
    %c0_i32 = arith.constant 0 : i32
    %c0_i32_0 = arith.constant 0 : i32
    %c0_i32_1 = arith.constant 0 : i32
    return %arg0, %c0_i32, %c0_i32_0 : i32, i32, i32
  }
  func.func @transform_1(%arg0: i32) -> (i32, i32, i32, i32) {
    %c0_i32 = arith.constant 0 : i32
    %c0_i32_0 = arith.constant 0 : i32
    %c0_i32_1 = arith.constant 0 : i32
    %c0_i32_2 = arith.constant 0 : i32
    return %arg0, %c0_i32, %c0_i32_0, %c0_i32_1 : i32, i32, i32, i32
  }
  func.func @transform_2(%arg0: i32) -> (i32, i32, i32, i32) {
    %c0_i32 = arith.constant 0 : i32
    %c0_i32_0 = arith.constant 0 : i32
    %c0_i32_1 = arith.constant 0 : i32
    %c0_i32_2 = arith.constant 0 : i32
    return %arg0, %c0_i32, %c0_i32_0, %c0_i32_1 : i32, i32, i32, i32
  }
  func.func @transform_3(%arg0: i32) -> (i32, i32, i32) {
    %c0_i32 = arith.constant 0 : i32
    %c0_i32_0 = arith.constant 0 : i32
    %c0_i32_1 = arith.constant 0 : i32
    return %arg0, %c0_i32, %c0_i32_0 : i32, i32, i32
  }
}

</mosaic_0001>

<sc_bundles>
// kernel: gather_offload_async_start.1
scs
__scs_entry_jumppad:
0x0: {  	(pc) =	sbr.rel $0x88, $3  }
0x1: {  	(tag) =	ssettag $0x0;
	lr =	simm.s32 $0x1  }
0x2: {  	[smem:$0x3F9E] =	sst lr;
	_ =	strace $0xD0000000  }
0x3: {  	_ = 	snop  }
0x4: {  	_ = 	snop  }
0x5: {  	_ = 	snop  }
0x6: {  	_ = 	snop  }
0x7: {  	_ = 	snop  }
__scs_overlays_trampoline_lowered:
0x8: {  	[smem:$0x3FAD] =	sst s0  }
0x9: {  	[smem:$0x3FAE] =	sst s1  }
0xa: {  	[smem:$0x3FAF] =	sst s2  }
0xb: {  	[smem:$0x3FB0] =	sst s3  }
0xc: {  	[smem:$0x3FB1] =	sst s4  }
0xd: {  	[smem:$0x3FB2] =	sst s5  }
0xe: {  	[smem:$0x3FB3] =	sst s6  }
0xf: {  	[smem:$0x3FB4] =	sst s7  }
0x10: {  	[smem:$0x3FB5] =	sst s8  }
0x11: {  	[smem:$0x3FB6] =	sst s9;
	s0 =	simm.s32 @!p0 $0x0  }
0x12: {  	s1 =	sld [smem:$0x3F9C];
	s0 =	simm.s32 @p0 $0x1  }
0x13: {  	[smem:$0x3FB7] =	sst s0;
	s0 =	simm.s32 @!p1 $0x0  }
0x14: {  	s2 =	sld [smem:$0x3F9B];
	s0 =	simm.s32 @p1 $0x1  }
0x15: {  	[smem:$0x3FB8] =	sst s0;
	s0 =	simm.s32 @!p2 $0x0  }
0x16: {  	s3 =	sld [smem:$0x3FDB];
	s0 =	simm.s32 @p2 $0x1  }
0x17: {  	s4 =	simm.s32 $0x1BF5;
	[smem:$0x3FBA] =	sst s0  }
0x18: {  	s0 =	sld [smem:$0x3F9D];
	_ =	swait.ge [sflag:s4], $0x0  }
0x19: {  	s7 =	sld [smem:$0x3F9E]  }
0x1a: {  	s8 =	sadd.s32 $0xFFFFE003, lr  }
0x1b: {  	s9 =	sadd.s32 $0xFFFFFEF7, lr;
	s5 =	simm.s32 $0xFFFFFFFF;
	p2 =	slt.u32 s8, $0xFFFFF086  }
0x1c: {  	p1 =	slt.u32 s9, $0xF7A;
	s5 =	simm.s32 @!p2 $0x0  }
0x1d: {  	s5 =	simm.s32 @p1 $0x1;
	p0 =	seq.s32 s7, s2  }
0x1e: {  	s7 =	smul.u32 @!p0 $0xF7A, s2;
	p2 =	seq.s32 @!p0 s5, $0x0  }
0x1f: {  	s9 =	smul.u32 $0xF7A, s1;
	s8 =	simm.s32 @!p0 $0x1BF5;
	p2 =	por !p2, p0  }
0x20: {  	[sflag:s8] =	ssyncset.s32 @!p0 $0xFFFFF086;
	s6 =	sadd.s32 @!p0 s3, s7;
	s7 =	simm.s32 @!p0 $0x108  }
0x21: {  	s3 =	sadd.s32 s3, s9;
	s6 =	sadd.s32 @!p0 $0x88, s6;
	s7 =	simm.s32 @p2 $0x1082  }
0x22: {  	[simem:s7], [sflag:s8] =	dma.local @!p0 [hbm:s6], $0xF7A  }
0x23: {  	s9 =	sor.u32 $0xD0000000, s2;
	s6 =	simm.s32 $0x108;
	_ =	swait.ge @!p0 [sflag:s8], $0x0  }
0x24: {  	s3 =	sadd.s32 $0x88, s3;
	s6 =	simm.s32 @!p1 $0x1082;
	[sflag:s4] =	ssyncset.s32 $0xFFFFF086  }
0x25: {  	[simem:s6], [sflag:s4] =	dma.local [hbm:s3], $0xF7A  }
0x26: {  	[smem:$0x3F9E] =	sst s1;
	(tag) =	ssettag s2;
	_ =	strace s9  }
0x27: {  	s1 =	sld [smem:$0x3FAE]  }
0x28: {  	s2 =	sld [smem:$0x3FAF]  }
0x29: {  	s4 =	sld [smem:$0x3FB1]  }
0x2a: {  	p0 =	seq.s32 s5, $0x0;
	s5 =	sld [smem:$0x3FB2]  }
0x2b: {  	s6 =	sld [smem:$0x3FB3]  }
0x2c: {  	s7 =	sld [smem:$0x3FB4]  }
0x2d: {  	s3 =	simm.s32 $0x108;
	s8 =	sld [smem:$0x3FB5]  }
0x2e: {  	s3 =	simm.s32 @!p0 $0x1082;
	s9 =	sld [smem:$0x3FB6]  }
0x2f: {  	lr =	sadd.s32 s0, s3;
	s0 =	sld [smem:$0x3FAD]  }
0x30: {  	s3 =	sld [smem:$0x3FB0]  }
0x31: {  	[smem:$0x3FB9] =	sst s10  }
0x32: {  	s10 =	sld [smem:$0x3FB7];
	_ =	sdelay $0x3  }
0x33: {  	p0 =	seq.s32 s10, $0x1;
	s10 =	sld [smem:$0x3FB9];
	_ =	sdelay $0x3  }
0x34: {  	[smem:$0x3FB9] =	sst s10  }
0x35: {  	s10 =	sld [smem:$0x3FB8];
	_ =	sdelay $0x3  }
0x36: {  	p1 =	seq.s32 s10, $0x1;
	s10 =	sld [smem:$0x3FB9];
	_ =	sdelay $0x3  }
0x37: {  	[smem:$0x3FB9] =	sst s10  }
0x38: {  	s10 =	sld [smem:$0x3FBA]  }
0x39: {  	_ = 	snop;
	(pc) =	sbr.ind lr, $3  }
0x3a: {  	_ = 	snop  }
0x3b: {  	_ = 	snop  }
0x3c: {  	p2 =	seq.s32 s10, $0x1;
	s10 =	sld [smem:$0x3FB9]  }
0x3d: {  	_ =	shalt  }
0x3e: {  	_ =	shalt  }
0x3f: {  	_ =	shalt  }
0x40: {  	_ =	shalt  }
0x41: {  	_ =	shalt  }
0x42: {  	_ =	shalt  }
0x43: {  	_ =	shalt  }
0x44: {  	_ =	shalt  }
0x45: {  	_ =	shalt  }
0x46: {  	_ =	shalt  }
0x47: {  	_ =	shalt  }
0x48: {  	_ =	shalt  }
0x49: {  	_ =	shalt  }
0x4a: {  	_ =	shalt  }
0x4b: {  	_ =	shalt  }
0x4c: {  	_ =	shalt  }
0x4d: {  	_ =	shalt  }
0x4e: {  	_ =	shalt  }
0x4f: {  	_ =	shalt  }
0x50: {  	_ =	shalt  }
0x51: {  	_ =	shalt  }
0x52: {  	_ =	shalt  }
0x53: {  	_ =	shalt  }
0x54: {  	_ =	shalt  }
0x55: {  	_ =	shalt  }
0x56: {  	_ =	shalt  }
0x57: {  	_ =	shalt  }
0x58: {  	_ =	shalt  }
0x59: {  	_ =	shalt  }
0x5a: {  	_ =	shalt  }
0x5b: {  	_ =	shalt  }
0x5c: {  	_ =	shalt  }
0x5d: {  	_ =	shalt  }
0x5e: {  	_ =	shalt  }
0x5f: {  	_ =	shalt  }
0x60: {  	_ =	shalt  }
0x61: {  	_ =	shalt  }
0x62: {  	_ =	shalt  }
0x63: {  	_ =	shalt  }
0x64: {  	_ =	shalt  }
0x65: {  	_ =	shalt  }
0x66: {  	_ =	shalt  }
0x67: {  	_ =	shalt  }
0x68: {  	_ =	shalt  }
0x69: {  	_ =	shalt  }
0x6a: {  	_ =	shalt  }
0x6b: {  	_ =	shalt  }
0x6c: {  	_ =	shalt  }
0x6d: {  	_ =	shalt  }
0x6e: {  	_ =	shalt  }
0x6f: {  	_ =	shalt  }
0x70: {  	_ =	shalt  }
0x71: {  	_ =	shalt  }
0x72: {  	_ =	shalt  }
0x73: {  	_ =	shalt  }
0x74: {  	_ =	shalt  }
0x75: {  	_ =	shalt  }
0x76: {  	_ =	shalt  }
0x77: {  	_ =	shalt  }
0x78: {  	_ =	shalt  }
0x79: {  	_ =	shalt  }
0x7a: {  	_ =	shalt  }
0x7b: {  	_ =	shalt  }
0x7c: {  	_ =	shalt  }
0x7d: {  	_ =	shalt  }
0x7e: {  	_ =	shalt  }
0x7f: {  	_ =	shalt  }
0x80: {  	_ =	shalt  }
0x81: {  	_ =	shalt  }
0x82: {  	_ =	shalt  }
0x83: {  	_ =	shalt  }
0x84: {  	_ =	shalt  }
0x85: {  	_ =	shalt  }
0x86: {  	_ =	shalt  }
0x87: {  	_ =	shalt  }
.Lfunc_end0:
.L_simem_size_0:
called_computation.1_lowered:
.L_overlay_start_0:
0x88: {  	s2 =	sld [smem:$0x3FD9]  }
0x89: {  	s3 =	sld [smem:$0x3FFE];
	_ =	sdelay $0x1  }
0x8a: {  	s1 =	srdreg.scid  }
0x8b: {  	s0 =	sand.u32 $0x1, s1  }
0x8c: {  	s17 =	sshll.u32 s0, $0xA;
	s2 =	sadd.s32 s3, s2  }
0x8d: {  	s2 =	sadd.s32 s2, s17  }
0x8e: {  	[smem:$0x3FC5] =	sst s2  }
0x8f: {  	_ = 	snop  }
0x90: {  	(tm) =	ssettm $0x1  }
0x91: {  	s18 =	sld [smem:$0x3FFB];
	_ =	sdelay $0x3  }
0x92: {  	_ =	strace s18  }
0x93: {  	s2 =	sld [smem:$0x3FFC];
	_ =	sdelay $0x3  }
0x94: {  	_ =	strace s2  }
0x95: {  	s2 =	sld [smem:$0x3FFD];
	_ =	sdelay $0x3  }
0x96: {  	_ =	strace s2  }
0x97: {  	_ =	strace $0x8FFFFFFF  }
0x98: {  	s19 =	sld [smem:$0x3FDB];
	_ =	sdelay $0x1  }
0x99: {  	s20 =	simm.s32 $_scs_section_size  }
0x9a: {  	s4 =	simm.s32 $_size__tile_overlayer_lowered;
	s5 =	simm.s32 $_tile_overlayer_lowered  }
0x9b: {  	s6 =	simm.s32 $0x1BFF;
	s21 =	sshll.u32 s5, $0x1;
	s3 =	sadd.s32 s20, s19  }
0x9c: {  	s22 =	simm.s32 $0x0;
	s4 =	sshll.u32 s4, $0x1;
	s5 =	sadd.s32 s21, s3  }
0x9d: {  	[timem:s22], [sflag:s6] =	dma.local [hbm:s5], s4  }
0x9e: {  	_ =	swait.ge [sflag:s6], s4  }
0x9f: {  	s4 =	ssub.s32 $0x0, s4;
	[sflag:s6] =	ssyncset.done $0x0  }
0xa0: {  	[sflag:s6] =	ssyncadd.s32 s4;
	_ =	sdelay $0x1  }
0xa1: {  	s23 =	simm.s32 $0x1B8B  }
0xa2: {  	_ =	swait.ge [sflag:s23], $0x1  }
0xa3: {  	[sflag:s23] =	ssyncset.done $0x0  }
0xa4: {  	[sflag:s23] =	ssyncadd.s32 $0xFFFFFFFF  }
0xa5: {  	s4 =	sld [smem:$0x0]  }
0xa6: {  	s5 =	sand.u32 $0xFFFFFFFE, s1  }
0xa7: {  	p0 =	sne.s32 s1, s5  }
0xa8: {  	s5 =	sshll.u32 @p0 s5, $0xE  }
0xa9: {  	s5 =	sadd.s32 @p0 $0x11B8D, s5;
	s6 =	sshll.u32 @p0 s4, $0x11  }
0xaa: {  	s5 =	sor.u32 @p0 s6, s5  }
0xab: {  	[sflag:s5] =	ssyncadd.remote.s32 @p0 $0x1;
	_ =	sdelay $0x1  }
0xac: {  	s5 =	simm.s32 @p0 $0x1B8D  }
0xad: {  	_ =	swait.eq @p0 [sflag:s5], $0x1  }
0xae: {  	[sflag:s5] =	ssyncadd.s32 @p0 $0xFFFFFFFF  }
0xaf: {  	s6 =	sshll.u32 @!p0 s1, $0xE  }
0xb0: {  	s6 =	sor.u32 @!p0 $0x4000, s6;
	s5 =	simm.s32 @!p0 $0x1B8D  }
0xb1: {  	s4 =	sshll.u32 @!p0 s4, $0x11;
	s6 =	sadd.s32 @!p0 $0x11B8D, s6;
	_ =	swait.eq @!p0 [sflag:s5], $0x1  }
0xb2: {  	s4 =	sor.u32 @!p0 s4, s6;
	[sflag:s5] =	ssyncadd.s32 @!p0 $0xFFFFFFFF  }
0xb3: {  	s25 =	simm.s32 $0x1B8E;
	s24 =	sld [smem:$0x3FFE];
	[sflag:s4] =	ssyncadd.remote.s32 @!p0 $0x1  }
0xb4: {  	s26 =	simm.s32 $execute0_lowered;
	[smem:$0x3FD2] =	sst s25  }
0xb5: {  	s5 =	sshll.u32 s26, $0x1;
	_ =	strace $0x80000049;
	[dreg:$0x1] =	wrdreg $0xFFFFFFFF  }
0xb6: {  	s28 =	simm.s32 $_size_execute0_lowered;
	s3 =	sadd.s32 s3, s5;
	[dreg:$0x0] =	wrdreg $0x0  }
0xb7: {  	s5 =	sshll.u32 s28, $0x1;
	[dreg:$0x2] =	wrdreg s3  }
0xb8: {  	[dreg:$0x3] =	wrdreg s5  }
0xb9: {  	[dreg:$0x4] =	wrdreg $0xC0  }
0xba: {  	_ =	task [dreg:s22], $0x5FFFF  }
0xbb: {  	[dreg:$0x1] =	wrdreg $0xFFFFFFFF  }
0xbc: {  	[dreg:$0x0] =	wrdreg $0x60  }
0xbd: {  	[dreg:$0x2] =	wrdreg s24  }
0xbe: {  	[dreg:$0x3] =	wrdreg $0xA  }
0xbf: {  	_ =	task.clear_ibuf [dreg:s22], $0x4FFFF;
	_ =	strace $0x90000049  }
0xc0: {  	s29 =	simm.s32 $0xA;
	_ =	strace $0x8000004B  }
0xc1: {  	_ =	swait.ge [sflag:s29], $0x1  }
0xc2: {  	[sflag:s29] =	ssyncadd.s32 $0xFFFFFFFF  }
0xc3: {  	_ =	strace $0x9000004B  }
0xc4: {  	_ =	sfence  }
0xc5: {  	s30 =	sld [smem:$0x0];
	_ =	sdelay $0x2  }
0xc6: {  	s31 =	sshll.u32 s1, $0xD;
	s1 =	sshrl.u32 s1, $0x2  }
0xc7: {  	s4 =	sand.u32 $0x4000, s31;
	s1 =	sadd.s32 s1, s30  }
0xc8: {  	s0 =	sor.u32 s4, s0;
	s1 =	sshll.u32 s1, $0x11  }
0xc9: {  	s0 =	sor.u32 s1, s0  }
0xca: {  	s0 =	sadd.s32 $0x8F2B, s0  }
0xcb: {  	[sflag:s0] =	ssyncadd.remote.s32 $0x1  }
0xcc: {  	_ =	sfence.sel $0xFFFF  }
0xcd: {  	[dreg:$0x0] =	wrdreg $0xFFFFFFFF;
	(pc) =	sbr.abs _section_cstart, $3  }
0xce: {  	[dreg:$0x1] =	wrdreg $0xFFFFFFFF  }
0xcf: {  	_ =	task.clear_ibuf [dreg:s22], $0x2FFFF;
	_ =	strace $0x9FFFFFFF  }
0xd0: {  	(tm) =	ssettm $0x7FFFFFFF  }
0xd1: {  	_ =	shalt  }
tec
execute0_lowered:
.L_overlay_start_1:
0x0: {  	(tag) =	ssettag $0x1  }
0x1: {  	s0 =	srdreg.scid;
	s5 =	rddreg [dreg:$0x0]  }
0x2: {  	s1 =	stileid.u32;
	s6 =	simm.s32 $0x1;
	s9 =	simm.s32 $0x1  }
0x3: {  	s10 =	simm.s32 $0x3;
	s13 =	simm.s32 $0x0;
	s2 =	sshll.u32 s0, $0x7  }
0x4: {  	s12 =	simm.s32 $0x0;
	s3 =	sshll.u32 s1, $0x8;
	s2 =	sand.u32 $0x80, s2  }
0x5: {  	s0 =	rddreg [dreg:$0x1];
	_ =	strace $0x8000004A;
	s2 =	sor.u32 s3, s2  }
0x6: {  	s4 =	sadd.s32 $0x20000, s5;
	[sflag:s6] =	ssyncpa.u1 $0x0;
	s8 =	ssub.s32 $0x2F00, s2  }
.Ltmp0:
0x7: {  	s3 =	sadd.s32 $0x20600, s5;
	s7 =	sand.u32 $0xF80, s8;
	(pc) =	sbr.rel .LBB2_1-.Ltmp0, $4  }
0x8: {  	s5 =	sadd.s32 $0x10000, s5;
	s11 =	smov.u32 s2;
	p0 =	sne.s32 s7, $0x0  }
0x9: {  	s8 =	sshrl.u32 s8, $0xC;
	s7 =	simm.s32 $0x2;
	s9 =	simm.s32 @!p0 $0x0  }
0xa: {  	[sflag:s7] =	ssyncpa.u1 $0x0;
	p0 =	por $0x0, $0x0;
	s8 =	sadd.s32 s9, s8  }
0xb: {  	vm0 =	vmmov $0xffff;
	v0 =	vimm.s32 $0x0;
	v1 =	vlaneseq.u32;
	[sflag:s10] =	ssyncpa.u1 $0x0;
	s10 =	simm.s32 $0x0;
	s9 =	sadd.s32 $0x1, s8  }
.LBB2_4:
0xc: {  	_ =	sdelay $0x3  }
0xd: {  	[tilespmem:s21], [sflag:$0x1] =	stream.indirect_vreg.gather [hbm4b:s3+s10], $0x1, v2, vm0, $0x4038;
	[tilespmem:$0x500] =	vst v63  }
0xe: {  	s15 =	sadd.s32 s17, s15  }
0xf: {  	v2 =	vld.msk [tilespmem:s15+$0x0 ss:$0x1], $0xffff;
	_ =	sdelay $0x4  }
0x10: {  	v3 =	vshrl.u32 v2, $0x1  }
0x11: {  	v4 =	vand.u32 $0x1, v2;
	vm1 =	veq.s32 v2, $0x80000000;
	v2 =	vand.u32 $0x3FFFF, v3  }
0x12: {  	p1 =	sgt.s32 s18, $0x0;
	vm2 =	veq.s32 v4, $0x1;
	v2 =	vsel vm1, $0xFFFFFFFF, v2  }
0x13: {  	s18 =	simm.s32 @!p1 $0x0;
	v3 =	vsel vm2, $0xFFC00, v0;
	v61 =	vshll.u32 v2, $0x2  }
0x14: {  	s26 =	smin.u32 s18, $0x10;
	v3 =	vsel vm1, $0xFFF00400, v3;
	v4 =	vand.u32 $0xFFFFFE00, v61  }
0x15: {  	v62 =	vmov s26;
	v2 =	vand.u32 $0x7F, v2;
	v3 =	vadd.s32 v3, v4  }
0x16: {  	vm1 =	vgt.u32 v62, v1;
	v2 =	vor.u32 v2, v3  }
0x17: {  	v3 =	vnsel vm1, $0x7FFFFFFF, v2;
	_ =	sdelay $0x1  }
0x18: {  	v63 =	vor.u32 $0x80, v2  }
0x19: {  	(ifvalue) =	ssetifvalue $0x7FFFFFFF;
	v4 =	vnsel vm1, $0x7FFFFFFF, v63  }
0x1a: {  	s28 =	sadd.s32 s17, s16;
	(ifvalue) =	ssetifvalue $0x7FFFFFFF  }
0x1b: {  	v5 =	vor.u32 $0x100, v2;
	[tilespmem:s28], [sflag:$0x1] =	stream.indirect_vreg.gather [hbm4b:s3+s10], $0x1, v3, vm0, $0x4038;
	[tilespmem:$0x500] =	vst v63  }
0x1c: {  	(ifvalue) =	ssetifvalue $0x7FFFFFFF;
	v3 =	vnsel vm1, $0x7FFFFFFF, v5  }
0x1d: {  	s16 =	sadd.s32 $0x80, s28;
	(ifvalue) =	ssetifvalue $0x7FFFFFFF  }
0x1e: {  	v2 =	vor.u32 $0x180, v2;
	[tilespmem:s16], [sflag:$0x1] =	stream.indirect_vreg.gather [hbm4b:s3+s10], $0x1, v4, vm0, $0x4038;
	[tilespmem:$0x500] =	vst v63  }
0x1f: {  	v2 =	vnsel vm1, $0x7FFFFFFF, v2;
	(ifvalue) =	ssetifvalue $0x7FFFFFFF  }
0x20: {  	s29 =	sadd.s32 $0x100, s28;
	(ifvalue) =	ssetifvalue $0x7FFFFFFF  }
0x21: {  	[tilespmem:s29], [sflag:$0x1] =	stream.indirect_vreg.gather [hbm4b:s3+s10], $0x1, v3, vm0, $0x4038;
	[tilespmem:$0x500] =	vst v63  }
0x22: {  	(ifvalue) =	ssetifvalue $0x7FFFFFFF  }
0x23: {  	s30 =	sshll.u32 s13, $0x2;
	s15 =	sadd.s32 $0x180, s28;
	(ifvalue) =	ssetifvalue $0x7FFFFFFF  }
0x24: {  	[tilespmem:s15], [sflag:$0x1] =	stream.indirect_vreg.gather [hbm4b:s3+s10], $0x1, v2, vm0, $0x4038;
	[tilespmem:$0x500] =	vst v63  }
0x25: {  	s31 =	sand.u32 $0x78, s13;
	s15 =	sand.u32 $0xFFFFFE00, s30  }
0x26: {  	_ =	swait.ge [sflag:s6], $0x200;
	s13 =	sor.u32 s31, s15  }
0x27: {  	[sflag:s6] =	ssyncset.done $0x0;
	s13 =	sshrl.u32 s13, $0x3  }
0x28: {  	[sflag:s6] =	ssyncadd.s32 $0xFFFFFE00;
	s13 =	sadd.s32 s5, s13  }
0x29: {  	[hbm:s13] =	stream.linear.scatter [tilespmem:s14], [sflag:$0x3], $0x200, $0x38;
	[tilespmem:$0x500] =	vst v63  }
.LBB2_5:
0x2a: {  	s15 =	sadd.s32 $0x1000, s11  }
0x2b: {  	p2 =	sgt.s32 s15, $0x2EFF  }
0x2c: {  	s15 =	smov.u32 @p2 s2;
	p2 =	sne.s32 s12, s9  }
.Ltmp1:
0x2d: {  	p1 =	slt.u32 s12, $0x2;
	(pc) =	sbr.rel @!p2 .LBB2_6-.Ltmp1, $4  }
0x2e: {  	s14 =	simm.s32 @!p1 $0x3  }
0x2f: {  	s16 =	sadd.s32 $0x1, s12;
	_ =	swait.ge @!p1 [sflag:s14], $0x200  }
0x30: {  	s13 =	smov.u32 s11;
	p0 =	por !p0, !p0;
	[sflag:s14] =	ssyncset.done @!p1 $0x0  }
0x31: {  	s12 =	smov.u32 s16;
	s11 =	smov.u32 s15;
	[sflag:s14] =	ssyncadd.s32 @!p1 $0xFFFFFE00  }
.LBB2_1:
0x32: {  	p1 =	sge.u32 s12, s8  }
0x33: {  	s14 =	sxor.u32 @!p1 $0xFFFFFFFF, s12  }
0x34: {  	s31 =	sadd.s32 $0xFFFFFFFF, s12;
	s15 =	sshrl.u32 @!p1 s11, $0x3;
	s14 =	sshll.u32 @!p1 s14, $0x7  }
0x35: {  	s16 =	sand.u32 @!p1 $0x7, s11;
	s15 =	sadd.s32 @!p1 s4, s15;
	s14 =	sand.u32 @!p1 $0x80, s14  }
0x36: {  	[tilespmem:s14], [sflag:$0x2] =	stream.linear.gather @!p1 [hbm4b:s15+s16], $0x80, $0x38;
	[tilespmem:$0x500] =	vst v63  }
0x37: {  	p1 =	sge.u32 s31, s8  }
.Ltmp2:
0x38: {  	_ = 	snop;
	(pc) =	sbr.rel @p1 .LBB2_5-.Ltmp2, $1  }
0x39: {  	_ =	sdelay $0x3  }
0x3a: {  	s14 =	simm.s32 $0x1  }
0x3b: {  	_ =	swait.ge [sflag:s7], $0x80;
	s14 =	simm.s32 @!p0 $0x0  }
0x3c: {  	[sflag:s7] =	ssyncset.done $0x0;
	s15 =	sshll.u32 s14, $0x7  }
0x3d: {  	[sflag:s7] =	ssyncadd.s32 $0xFFFFFF80;
	s16 =	sadd.s32 $0x0, s15  }
0x3e: {  	v2 =	vld.msk [tilespmem:s16+$0x0 ss:$0x1], $0xffff;
	_ =	sdelay $0x3  }
0x3f: {  	s18 =	ssub.s32 $0x2EE0, s13  }
0x40: {  	p1 =	slt.s32 s18, $0x80;
	v3 =	vshrl.u32 v2, $0x1  }
0x41: {  	s18 =	simm.s32 @!p1 $0x80;
	v4 =	vand.u32 $0x1, v2;
	vm1 =	veq.s32 v2, $0x80000000;
	v2 =	vand.u32 $0x3FFFF, v3  }
0x42: {  	p1 =	sgt.s32 s18, $0x0;
	s16 =	smov.u32 s18;
	vm2 =	veq.s32 v4, $0x1;
	v2 =	vsel vm1, $0xFFFFFFFF, v2  }
0x43: {  	s16 =	simm.s32 @!p1 $0x0;
	v3 =	vsel vm2, $0xFFC00, v0;
	v61 =	vshll.u32 v2, $0x2  }
0x44: {  	s16 =	smin.u32 s16, $0x10;
	v3 =	vsel vm1, $0xFFF00400, v3;
	v4 =	vand.u32 $0xFFFFFE00, v61  }
0x45: {  	v62 =	vmov s16;
	v2 =	vand.u32 $0x7F, v2;
	v3 =	vadd.s32 v3, v4  }
0x46: {  	vm1 =	vgt.u32 v62, v1;
	v2 =	vor.u32 v2, v3  }
0x47: {  	v3 =	vnsel vm1, $0x7FFFFFFF, v2;
	_ =	sdelay $0x1  }
0x48: {  	s14 =	sshll.u32 s14, $0x9;
	v63 =	vor.u32 $0x80, v2  }
0x49: {  	(ifvalue) =	ssetifvalue $0x7FFFFFFF;
	s16 =	sor.u32 $0x100, s14;
	v4 =	vnsel vm1, $0x7FFFFFFF, v63  }
0x4a: {  	(ifvalue) =	ssetifvalue $0x7FFFFFFF;
	s19 =	sadd.s32 $0x0, s16  }
0x4b: {  	v5 =	vor.u32 $0x100, v2;
	[tilespmem:s19], [sflag:$0x1] =	stream.indirect_vreg.gather [hbm4b:s3+s10], $0x1, v3, vm0, $0x4038;
	[tilespmem:$0x500] =	vst v63  }
0x4c: {  	(ifvalue) =	ssetifvalue $0x7FFFFFFF;
	v3 =	vnsel vm1, $0x7FFFFFFF, v5  }
0x4d: {  	s17 =	sadd.s32 $0x80, s19;
	(ifvalue) =	ssetifvalue $0x7FFFFFFF  }
0x4e: {  	v2 =	vor.u32 $0x180, v2;
	[tilespmem:s17], [sflag:$0x1] =	stream.indirect_vreg.gather [hbm4b:s3+s10], $0x1, v4, vm0, $0x4038;
	[tilespmem:$0x500] =	vst v63  }
0x4f: {  	s30 =	sshll.u32 s12, $0x9;
	s20 =	simm.s32 $0x80;
	v2 =	vnsel vm1, $0x7FFFFFFF, v2;
	(ifvalue) =	ssetifvalue $0x7FFFFFFF  }
0x50: {  	s14 =	sand.u32 $0x200, s30;
	s31 =	sadd.s32 $0x100, s19;
	(ifvalue) =	ssetifvalue $0x7FFFFFFF  }
0x51: {  	[tilespmem:s31], [sflag:$0x1] =	stream.indirect_vreg.gather [hbm4b:s3+s10], $0x1, v3, vm0, $0x4038;
	[tilespmem:$0x500] =	vst v63  }
0x52: {  	s18 =	sadd.s32 $0xFFFFFFF0, s18;
	s14 =	sor.u32 $0x100, s14;
	(ifvalue) =	ssetifvalue $0x7FFFFFFF  }
0x53: {  	s21 =	sadd.s32 $0x180, s19;
	s17 =	simm.s32 $0x10;
	(ifvalue) =	ssetifvalue $0x7FFFFFFF  }
.LBB2_3:
0x54: {  	[tilespmem:s21], [sflag:$0x1] =	stream.indirect_vreg.gather [hbm4b:s3+s10], $0x1, v2, vm0, $0x4038;
	[tilespmem:$0x500] =	vst v63  }
0x55: {  	s19 =	smov.u32 s20  }
0x56: {  	s22 =	sadd.s32 s17, s15;
	s21 =	sshra.s32 s19, $0x2;
	s19 =	sadd.s32 $0x40, s20  }
0x57: {  	p1 =	sne.s32 s20, $0x1C0;
	v2 =	vld.msk [tilespmem:s22+$0x0 ss:$0x1], $0xffff  }
0x58: {  	(ifvalue) =	ssetifvalue $0x7FFFFFFF;
	_ =	sdelay $0x4  }
0x59: {  	v3 =	vshrl.u32 v2, $0x1;
	v4 =	vand.u32 $0x1, v2  }
0x5a: {  	vm1 =	veq.s32 v2, $0x80000000;
	v2 =	vand.u32 $0x3FFFF, v3;
	vm2 =	veq.s32 v4, $0x1  }
0x5b: {  	p2 =	sgt.s32 s18, $0x0;
	s20 =	smov.u32 s18;
	v2 =	vsel vm1, $0xFFFFFFFF, v2;
	v3 =	vsel vm2, $0xFFC00, v0  }
0x5c: {  	s20 =	simm.s32 @!p2 $0x0;
	v3 =	vsel vm1, $0xFFF00400, v3;
	v4 =	vshll.u32 v2, $0x2  }
0x5d: {  	s20 =	smin.u32 s20, $0x10;
	v4 =	vand.u32 $0xFFFFFE00, v4  }
0x5e: {  	v2 =	vand.u32 $0x7F, v2;
	v3 =	vadd.s32 v3, v4;
	v4 =	vmov s20  }
0x5f: {  	v2 =	vor.u32 v2, v3;
	vm1 =	vgt.u32 v4, v1  }
0x60: {  	v3 =	vnsel vm1, $0x7FFFFFFF, v2;
	v4 =	vor.u32 $0x80, v2;
	v5 =	vor.u32 $0x100, v2  }
0x61: {  	v2 =	vor.u32 $0x180, v2;
	_ =	sdelay $0x1  }
0x62: {  	v4 =	vnsel vm1, $0x7FFFFFFF, v4  }
0x63: {  	s20 =	sadd.s32 s17, s16;
	s17 =	smov.u32 s21;
	(ifvalue) =	ssetifvalue $0x7FFFFFFF  }
0x64: {  	[tilespmem:s20], [sflag:$0x1] =	stream.indirect_vreg.gather [hbm4b:s3+s10], $0x1, v3, vm0, $0x4038;
	[tilespmem:$0x500] =	vst v63  }
0x65: {  	v3 =	vnsel vm1, $0x7FFFFFFF, v5;
	(ifvalue) =	ssetifvalue $0x7FFFFFFF  }
0x66: {  	s21 =	sadd.s32 $0x80, s20;
	(ifvalue) =	ssetifvalue $0x7FFFFFFF  }
0x67: {  	[tilespmem:s21], [sflag:$0x1] =	stream.indirect_vreg.gather [hbm4b:s3+s10], $0x1, v4, vm0, $0x4038;
	[tilespmem:$0x500] =	vst v63  }
.Ltmp3:
0x68: {  	v2 =	vnsel vm1, $0x7FFFFFFF, v2;
	(ifvalue) =	ssetifvalue $0x7FFFFFFF;
	(pc) =	sbr.rel @p1 .LBB2_3-.Ltmp3, $4  }
0x69: {  	s21 =	sadd.s32 $0x100, s20;
	(ifvalue) =	ssetifvalue $0x7FFFFFFF  }
0x6a: {  	[tilespmem:s21], [sflag:$0x1] =	stream.indirect_vreg.gather [hbm4b:s3+s10], $0x1, v3, vm0, $0x4038;
	[tilespmem:$0x500] =	vst v63  }
0x6b: {  	s18 =	sadd.s32 $0xFFFFFFF0, s18;
	(ifvalue) =	ssetifvalue $0x7FFFFFFF  }
0x6c: {  	s21 =	sadd.s32 $0x180, s20;
	s20 =	smov.u32 s19;
	(ifvalue) =	ssetifvalue $0x7FFFFFFF  }
.Ltmp4:
0x6d: {  	_ = 	snop;
	(pc) =	sbr.rel .LBB2_4-.Ltmp4, $1  }
0x6e: {  	_ =	sdelay $0x3  }
.LBB2_6:
0x6f: {  	_ =	sfence.sel $0x180000  }
0x70: {  	s2 =	simm.s32 $0x2;
	[bflag:$0x0] =	sbarrier.arrive $0xFFFF  }
0x71: {  	s30 =	simm.s32 $0x3;
	[sflag:s2] =	ssyncpa.u1 $0x1  }
0x72: {  	s31 =	simm.s32 $0x1;
	[sflag:s30] =	ssyncpa.u1 $0x1  }
0x73: {  	[sflag:s31] =	ssyncpa.u1 $0x1  }
0x74: {  	p0 =	sne.s32 s1, $0x0;
	_ =	strace $0x9000004A  }
0x75: {  	s0 =	sadd.s32 @!p0 $0x100000, s0;
	[bflag:$0x2] =	sbarrier.arrive $0xFFFF  }
0x76: {  	[sflag:s0] =	ssyncadd.tile.s32 @!p0 $0x1;
	_ =	shalt  }
.Lfunc_end2:
_tile_overlayer_lowered:
.L_overlay_start_2:
0x77: {  	(tag) =	ssettag $0x2  }
0x78: {  	s0 =	rddreg [dreg:$0x0];
	s2 =	stileid.u32  }
0x79: {  	s1 =	rddreg [dreg:$0x1];
	p0 =	sne.s32 s2, $0x0  }
0x7a: {  	s3 =	rddreg [dreg:$0x2];
	[bflag:$0x3] =	sbarrier.arrive $0xFFFF;
	s2 =	simm.s32 @!p0 $0x1C01  }
0x7b: {  	[timem:s3], [sflag:s2] =	dma.local @!p0 [hbm:s0], s1  }
0x7c: {  	s0 =	simm.s32 @!p0 $0x1  }
0x7d: {  	_ =	swait.ge @!p0 [sflag:s0], s1  }
0x7e: {  	s1 =	ssub.s32 @!p0 $0x0, s1;
	[sflag:s0] =	ssyncset.done @!p0 $0x0  }
0x7f: {  	[sflag:s0] =	ssyncadd.s32 @!p0 s1  }
0x80: {  	[bflag:$0x3] =	sbarrier.arrive $0xFFFF  }
0x81: {  	_ =	shalt  }

// kernel: gather_offload_async_start
scs
__scs_entry_jumppad:
0x0: {  	(pc) =	sbr.rel $0x88, $3  }
0x1: {  	(tag) =	ssettag $0x0;
	lr =	simm.s32 $0x1  }
0x2: {  	[smem:$0x3F9E] =	sst lr;
	_ =	strace $0xD0000000  }
0x3: {  	_ = 	snop  }
0x4: {  	_ = 	snop  }
0x5: {  	_ = 	snop  }
0x6: {  	_ = 	snop  }
0x7: {  	_ = 	snop  }
__scs_overlays_trampoline_lowered:
0x8: {  	[smem:$0x3FAD] =	sst s0  }
0x9: {  	[smem:$0x3FAE] =	sst s1  }
0xa: {  	[smem:$0x3FAF] =	sst s2  }
0xb: {  	[smem:$0x3FB0] =	sst s3  }
0xc: {  	[smem:$0x3FB1] =	sst s4  }
0xd: {  	[smem:$0x3FB2] =	sst s5  }
0xe: {  	[smem:$0x3FB3] =	sst s6  }
0xf: {  	[smem:$0x3FB4] =	sst s7  }
0x10: {  	[smem:$0x3FB5] =	sst s8  }
0x11: {  	[smem:$0x3FB6] =	sst s9;
	s0 =	simm.s32 @!p0 $0x0  }
0x12: {  	s1 =	sld [smem:$0x3F9C];
	s0 =	simm.s32 @p0 $0x1  }
0x13: {  	[smem:$0x3FB7] =	sst s0;
	s0 =	simm.s32 @!p1 $0x0  }
0x14: {  	s2 =	sld [smem:$0x3F9B];
	s0 =	simm.s32 @p1 $0x1  }
0x15: {  	[smem:$0x3FB8] =	sst s0;
	s0 =	simm.s32 @!p2 $0x0  }
0x16: {  	s3 =	sld [smem:$0x3FDB];
	s0 =	simm.s32 @p2 $0x1  }
0x17: {  	s4 =	simm.s32 $0x1BF5;
	[smem:$0x3FBA] =	sst s0  }
0x18: {  	s0 =	sld [smem:$0x3F9D];
	_ =	swait.ge [sflag:s4], $0x0  }
0x19: {  	s7 =	sld [smem:$0x3F9E]  }
0x1a: {  	s8 =	sadd.s32 $0xFFFFE003, lr  }
0x1b: {  	s9 =	sadd.s32 $0xFFFFFEF7, lr;
	s5 =	simm.s32 $0xFFFFFFFF;
	p2 =	slt.u32 s8, $0xFFFFF086  }
0x1c: {  	p1 =	slt.u32 s9, $0xF7A;
	s5 =	simm.s32 @!p2 $0x0  }
0x1d: {  	s5 =	simm.s32 @p1 $0x1;
	p0 =	seq.s32 s7, s2  }
0x1e: {  	s7 =	smul.u32 @!p0 $0xF7A, s2;
	p2 =	seq.s32 @!p0 s5, $0x0  }
0x1f: {  	s9 =	smul.u32 $0xF7A, s1;
	s8 =	simm.s32 @!p0 $0x1BF5;
	p2 =	por !p2, p0  }
0x20: {  	[sflag:s8] =	ssyncset.s32 @!p0 $0xFFFFF086;
	s6 =	sadd.s32 @!p0 s3, s7;
	s7 =	simm.s32 @!p0 $0x108  }
0x21: {  	s3 =	sadd.s32 s3, s9;
	s6 =	sadd.s32 @!p0 $0x88, s6;
	s7 =	simm.s32 @p2 $0x1082  }
0x22: {  	[simem:s7], [sflag:s8] =	dma.local @!p0 [hbm:s6], $0xF7A  }
0x23: {  	s9 =	sor.u32 $0xD0000000, s2;
	s6 =	simm.s32 $0x108;
	_ =	swait.ge @!p0 [sflag:s8], $0x0  }
0x24: {  	s3 =	sadd.s32 $0x88, s3;
	s6 =	simm.s32 @!p1 $0x1082;
	[sflag:s4] =	ssyncset.s32 $0xFFFFF086  }
0x25: {  	[simem:s6], [sflag:s4] =	dma.local [hbm:s3], $0xF7A  }
0x26: {  	[smem:$0x3F9E] =	sst s1;
	(tag) =	ssettag s2;
	_ =	strace s9  }
0x27: {  	s1 =	sld [smem:$0x3FAE]  }
0x28: {  	s2 =	sld [smem:$0x3FAF]  }
0x29: {  	s4 =	sld [smem:$0x3FB1]  }
0x2a: {  	p0 =	seq.s32 s5, $0x0;
	s5 =	sld [smem:$0x3FB2]  }
0x2b: {  	s6 =	sld [smem:$0x3FB3]  }
0x2c: {  	s7 =	sld [smem:$0x3FB4]  }
0x2d: {  	s3 =	simm.s32 $0x108;
	s8 =	sld [smem:$0x3FB5]  }
0x2e: {  	s3 =	simm.s32 @!p0 $0x1082;
	s9 =	sld [smem:$0x3FB6]  }
0x2f: {  	lr =	sadd.s32 s0, s3;
	s0 =	sld [smem:$0x3FAD]  }
0x30: {  	s3 =	sld [smem:$0x3FB0]  }
0x31: {  	[smem:$0x3FB9] =	sst s10  }
0x32: {  	s10 =	sld [smem:$0x3FB7];
	_ =	sdelay $0x3  }
0x33: {  	p0 =	seq.s32 s10, $0x1;
	s10 =	sld [smem:$0x3FB9];
	_ =	sdelay $0x3  }
0x34: {  	[smem:$0x3FB9] =	sst s10  }
0x35: {  	s10 =	sld [smem:$0x3FB8];
	_ =	sdelay $0x3  }
0x36: {  	p1 =	seq.s32 s10, $0x1;
	s10 =	sld [smem:$0x3FB9];
	_ =	sdelay $0x3  }
0x37: {  	[smem:$0x3FB9] =	sst s10  }
0x38: {  	s10 =	sld [smem:$0x3FBA]  }
0x39: {  	_ = 	snop;
	(pc) =	sbr.ind lr, $3  }
0x3a: {  	_ = 	snop  }
0x3b: {  	_ = 	snop  }
0x3c: {  	p2 =	seq.s32 s10, $0x1;
	s10 =	sld [smem:$0x3FB9]  }
0x3d: {  	_ =	shalt  }
0x3e: {  	_ =	shalt  }
0x3f: {  	_ =	shalt  }
0x40: {  	_ =	shalt  }
0x41: {  	_ =	shalt  }
0x42: {  	_ =	shalt  }
0x43: {  	_ =	shalt  }
0x44: {  	_ =	shalt  }
0x45: {  	_ =	shalt  }
0x46: {  	_ =	shalt  }
0x47: {  	_ =	shalt  }
0x48: {  	_ =	shalt  }
0x49: {  	_ =	shalt  }
0x4a: {  	_ =	shalt  }
0x4b: {  	_ =	shalt  }
0x4c: {  	_ =	shalt  }
0x4d: {  	_ =	shalt  }
0x4e: {  	_ =	shalt  }
0x4f: {  	_ =	shalt  }
0x50: {  	_ =	shalt  }
0x51: {  	_ =	shalt  }
0x52: {  	_ =	shalt  }
0x53: {  	_ =	shalt  }
0x54: {  	_ =	shalt  }
0x55: {  	_ =	shalt  }
0x56: {  	_ =	shalt  }
0x57: {  	_ =	shalt  }
0x58: {  	_ =	shalt  }
0x59: {  	_ =	shalt  }
0x5a: {  	_ =	shalt  }
0x5b: {  	_ =	shalt  }
0x5c: {  	_ =	shalt  }
0x5d: {  	_ =	shalt  }
0x5e: {  	_ =	shalt  }
0x5f: {  	_ =	shalt  }
0x60: {  	_ =	shalt  }
0x61: {  	_ =	shalt  }
0x62: {  	_ =	shalt  }
0x63: {  	_ =	shalt  }
0x64: {  	_ =	shalt  }
0x65: {  	_ =	shalt  }
0x66: {  	_ =	shalt  }
0x67: {  	_ =	shalt  }
0x68: {  	_ =	shalt  }
0x69: {  	_ =	shalt  }
0x6a: {  	_ =	shalt  }
0x6b: {  	_ =	shalt  }
0x6c: {  	_ =	shalt  }
0x6d: {  	_ =	shalt  }
0x6e: {  	_ =	shalt  }
0x6f: {  	_ =	shalt  }
0x70: {  	_ =	shalt  }
0x71: {  	_ =	shalt  }
0x72: {  	_ =	shalt  }
0x73: {  	_ =	shalt  }
0x74: {  	_ =	shalt  }
0x75: {  	_ =	shalt  }
0x76: {  	_ =	shalt  }
0x77: {  	_ =	shalt  }
0x78: {  	_ =	shalt  }
0x79: {  	_ =	shalt  }
0x7a: {  	_ =	shalt  }
0x7b: {  	_ =	shalt  }
0x7c: {  	_ =	shalt  }
0x7d: {  	_ =	shalt  }
0x7e: {  	_ =	shalt  }
0x7f: {  	_ =	shalt  }
0x80: {  	_ =	shalt  }
0x81: {  	_ =	shalt  }
0x82: {  	_ =	shalt  }
0x83: {  	_ =	shalt  }
0x84: {  	_ =	shalt  }
0x85: {  	_ =	shalt  }
0x86: {  	_ =	shalt  }
0x87: {  	_ =	shalt  }
.Lfunc_end0:
.L_simem_size_0:
called_computation_lowered:
.L_overlay_start_0:
0x88: {  	s2 =	sld [smem:$0x3FD9]  }
0x89: {  	s3 =	sld [smem:$0x3FFE];
	_ =	sdelay $0x1  }
0x8a: {  	s1 =	srdreg.scid  }
0x8b: {  	s0 =	sand.u32 $0x1, s1  }
0x8c: {  	s17 =	sshll.u32 s0, $0xA;
	s2 =	sadd.s32 s3, s2  }
0x8d: {  	s2 =	sadd.s32 s2, s17  }
0x8e: {  	[smem:$0x3FC5] =	sst s2  }
0x8f: {  	_ = 	snop  }
0x90: {  	s2 =	sld [smem:$0x3FC7];
	(tm) =	ssettm $0x1  }
0x91: {  	s18 =	sld [smem:$0x3FFB];
	_ =	sdelay $0x3  }
0x92: {  	_ =	strace s18  }
0x93: {  	s3 =	sld [smem:$0x3FFC];
	_ =	sdelay $0x3  }
0x94: {  	_ =	strace s3  }
0x95: {  	s3 =	sld [smem:$0x3FFD];
	_ =	sdelay $0x3  }
0x96: {  	_ =	strace s3  }
0x97: {  	_ =	strace $0x8FFFFFFF  }
0x98: {  	s19 =	sld [smem:$0x3FDB];
	_ =	sdelay $0x1  }
0x99: {  	s4 =	simm.s32 $_scs_section_size  }
0x9a: {  	s5 =	simm.s32 $_size__tile_overlayer_lowered;
	s6 =	simm.s32 $_tile_overlayer_lowered  }
0x9b: {  	s22 =	simm.s32 $0x1BFF;
	s21 =	sshll.u32 s6, $0x1;
	s3 =	sadd.s32 s4, s19  }
0x9c: {  	s7 =	simm.s32 $0x0;
	s20 =	sshll.u32 s5, $0x1;
	s5 =	sadd.s32 s21, s3  }
0x9d: {  	[timem:s7], [sflag:s22] =	dma.local [hbm:s5], s20  }
0x9e: {  	_ =	swait.ge [sflag:s22], s20  }
0x9f: {  	s4 =	ssub.s32 $0x0, s20;
	[sflag:s22] =	ssyncset.done $0x0  }
0xa0: {  	[sflag:s22] =	ssyncadd.s32 s4;
	_ =	sdelay $0x1  }
0xa1: {  	s23 =	simm.s32 $0x1B8B  }
0xa2: {  	_ =	swait.ge [sflag:s23], $0x1  }
0xa3: {  	[sflag:s23] =	ssyncset.done $0x0  }
0xa4: {  	s25 =	simm.s32 $0x1B8E;
	s24 =	sld [smem:$0x3FFE];
	[sflag:s23] =	ssyncadd.s32 $0xFFFFFFFF  }
0xa5: {  	s26 =	simm.s32 $execute0_lowered;
	[smem:$0x3FD2] =	sst s25  }
0xa6: {  	s5 =	sshll.u32 s26, $0x1;
	_ =	strace $0x80000046;
	[dreg:$0x1] =	wrdreg $0xFFFFFFFF  }
0xa7: {  	s28 =	simm.s32 $_size_execute0_lowered;
	s3 =	sadd.s32 s3, s5;
	[dreg:$0x0] =	wrdreg $0x0  }
0xa8: {  	s5 =	sshll.u32 s28, $0x1;
	[dreg:$0x2] =	wrdreg s3  }
0xa9: {  	[dreg:$0x3] =	wrdreg s5  }
0xaa: {  	[dreg:$0x4] =	wrdreg $0xC0  }
0xab: {  	_ =	task [dreg:s7], $0x5FFFF  }
0xac: {  	[dreg:$0x1] =	wrdreg $0xFFFFFFFF  }
0xad: {  	[dreg:$0x0] =	wrdreg $0x60  }
0xae: {  	[dreg:$0x2] =	wrdreg s2  }
0xaf: {  	[dreg:$0x3] =	wrdreg s24  }
0xb0: {  	[dreg:$0x4] =	wrdreg $0x9  }
0xb1: {  	_ =	task.clear_ibuf [dreg:s7], $0x5FFFF;
	_ =	strace $0x90000046  }
0xb2: {  	s29 =	simm.s32 $0x9;
	_ =	strace $0x80000048  }
0xb3: {  	_ =	swait.ge [sflag:s29], $0x1  }
0xb4: {  	[sflag:s29] =	ssyncadd.s32 $0xFFFFFFFF  }
0xb5: {  	_ =	strace $0x90000048  }
0xb6: {  	_ =	sfence  }
0xb7: {  	s30 =	sld [smem:$0x0];
	_ =	sdelay $0x2  }
0xb8: {  	s31 =	sshll.u32 s1, $0xD;
	s1 =	sshrl.u32 s1, $0x2  }
0xb9: {  	s3 =	sand.u32 $0x4000, s31;
	s1 =	sadd.s32 s1, s30  }
0xba: {  	s0 =	sor.u32 s3, s0;
	s1 =	sshll.u32 s1, $0x11  }
0xbb: {  	s0 =	sor.u32 s1, s0  }
0xbc: {  	s0 =	sadd.s32 $0x8F2B, s0  }
0xbd: {  	[sflag:s0] =	ssyncadd.remote.s32 $0x1  }
0xbe: {  	_ =	sfence.sel $0xFFFF  }
0xbf: {  	[dreg:$0x0] =	wrdreg $0xFFFFFFFF;
	(pc) =	sbr.abs _section_cstart, $3  }
0xc0: {  	[dreg:$0x1] =	wrdreg $0xFFFFFFFF  }
0xc1: {  	_ =	task.clear_ibuf [dreg:s7], $0x2FFFF;
	_ =	strace $0x9FFFFFFF  }
0xc2: {  	(tm) =	ssettm $0x7FFFFFFF  }
0xc3: {  	_ =	shalt  }
tec
execute0_lowered:
.L_overlay_start_1:
0x0: {  	(tag) =	ssettag $0x1  }
0x1: {  	s1 =	srdreg.scid;
	s2 =	rddreg [dreg:$0x0]  }
0x2: {  	s0 =	stileid.u32;
	s5 =	rddreg [dreg:$0x1];
	s6 =	simm.s32 $0x1  }
0x3: {  	s9 =	simm.s32 $0x1;
	s10 =	simm.s32 $0x3;
	s1 =	sshll.u32 s1, $0x7  }
0x4: {  	s13 =	simm.s32 $0x0;
	s3 =	sshll.u32 s0, $0x8;
	s4 =	sand.u32 $0x80, s1  }
0x5: {  	s12 =	simm.s32 $0x0;
	s1 =	rddreg [dreg:$0x2];
	s3 =	sor.u32 s3, s4  }
0x6: {  	_ =	strace $0x80000047;
	s4 =	sadd.s32 $0x20000, s5;
	s8 =	ssub.s32 $0x2F00, s3  }
.Ltmp0:
0x7: {  	s5 =	sadd.s32 $0x60600, s5;
	s7 =	sand.u32 $0xF80, s8;
	(pc) =	sbr.rel .LBB2_1-.Ltmp0, $4  }
0x8: {  	[sflag:s6] =	ssyncpa.u1 $0x0;
	s11 =	smov.u32 s3;
	p0 =	sne.s32 s7, $0x0  }
0x9: {  	s8 =	sshrl.u32 s8, $0xC;
	s7 =	simm.s32 $0x2;
	s9 =	simm.s32 @!p0 $0x0  }
0xa: {  	[sflag:s7] =	ssyncpa.u1 $0x0;
	p0 =	por $0x0, $0x0;
	s8 =	sadd.s32 s9, s8  }
0xb: {  	vm0 =	vmmov $0xffff;
	v0 =	vimm.s32 $0x0;
	v1 =	vlaneseq.u32;
	[sflag:s10] =	ssyncpa.u1 $0x0;
	s10 =	simm.s32 $0x0;
	s9 =	sadd.s32 $0x1, s8  }
.LBB2_4:
0xc: {  	_ =	sdelay $0x3  }
0xd: {  	[tilespmem:s21], [sflag:$0x1] =	stream.indirect_vreg.gather [hbm4b:s2+s10], $0x1, v2, vm0, $0x4038;
	[tilespmem:$0x500] =	vst v63  }
0xe: {  	s15 =	sadd.s32 s17, s15  }
0xf: {  	v2 =	vld.msk [tilespmem:s15+$0x0 ss:$0x1], $0xffff;
	_ =	sdelay $0x4  }
0x10: {  	v3 =	vshrl.u32 v2, $0x1  }
0x11: {  	v4 =	vand.u32 $0x1, v2;
	vm1 =	veq.s32 v2, $0x80000000;
	v2 =	vand.u32 $0x3FFFF, v3  }
0x12: {  	p1 =	sgt.s32 s18, $0x0;
	vm2 =	veq.s32 v4, $0x1;
	v2 =	vsel vm1, $0xFFFFFFFF, v2  }
0x13: {  	s18 =	simm.s32 @!p1 $0x0;
	v3 =	vsel vm2, $0xFFC00, v0;
	v61 =	vshll.u32 v2, $0x2  }
0x14: {  	s26 =	smin.u32 s18, $0x10;
	v3 =	vsel vm1, $0xFFF00400, v3;
	v4 =	vand.u32 $0xFFFFFE00, v61  }
0x15: {  	v62 =	vmov s26;
	v2 =	vand.u32 $0x7F, v2;
	v3 =	vadd.s32 v3, v4  }
0x16: {  	vm1 =	vgt.u32 v62, v1;
	v2 =	vor.u32 v2, v3  }
0x17: {  	v3 =	vnsel vm1, $0x7FFFFFFF, v2;
	_ =	sdelay $0x1  }
0x18: {  	v63 =	vor.u32 $0x80, v2  }
0x19: {  	(ifvalue) =	ssetifvalue $0x7FFFFFFF;
	v4 =	vnsel vm1, $0x7FFFFFFF, v63  }
0x1a: {  	s28 =	sadd.s32 s17, s16;
	(ifvalue) =	ssetifvalue $0x7FFFFFFF  }
0x1b: {  	v5 =	vor.u32 $0x100, v2;
	[tilespmem:s28], [sflag:$0x1] =	stream.indirect_vreg.gather [hbm4b:s2+s10], $0x1, v3, vm0, $0x4038;
	[tilespmem:$0x500] =	vst v63  }
0x1c: {  	(ifvalue) =	ssetifvalue $0x7FFFFFFF;
	v3 =	vnsel vm1, $0x7FFFFFFF, v5  }
0x1d: {  	s16 =	sadd.s32 $0x80, s28;
	(ifvalue) =	ssetifvalue $0x7FFFFFFF  }
0x1e: {  	v2 =	vor.u32 $0x180, v2;
	[tilespmem:s16], [sflag:$0x1] =	stream.indirect_vreg.gather [hbm4b:s2+s10], $0x1, v4, vm0, $0x4038;
	[tilespmem:$0x500] =	vst v63  }
0x1f: {  	v2 =	vnsel vm1, $0x7FFFFFFF, v2;
	(ifvalue) =	ssetifvalue $0x7FFFFFFF  }
0x20: {  	s29 =	sadd.s32 $0x100, s28;
	(ifvalue) =	ssetifvalue $0x7FFFFFFF  }
0x21: {  	[tilespmem:s29], [sflag:$0x1] =	stream.indirect_vreg.gather [hbm4b:s2+s10], $0x1, v3, vm0, $0x4038;
	[tilespmem:$0x500] =	vst v63  }
0x22: {  	(ifvalue) =	ssetifvalue $0x7FFFFFFF  }
0x23: {  	s30 =	sshll.u32 s13, $0x2;
	s15 =	sadd.s32 $0x180, s28;
	(ifvalue) =	ssetifvalue $0x7FFFFFFF  }
0x24: {  	[tilespmem:s15], [sflag:$0x1] =	stream.indirect_vreg.gather [hbm4b:s2+s10], $0x1, v2, vm0, $0x4038;
	[tilespmem:$0x500] =	vst v63  }
0x25: {  	s31 =	sand.u32 $0x78, s13;
	s15 =	sand.u32 $0xFFFFFE00, s30  }
0x26: {  	_ =	swait.ge [sflag:s6], $0x200;
	s13 =	sor.u32 s31, s15  }
0x27: {  	[sflag:s6] =	ssyncset.done $0x0;
	s13 =	sshrl.u32 s13, $0x3  }
0x28: {  	[sflag:s6] =	ssyncadd.s32 $0xFFFFFE00;
	s13 =	sadd.s32 s5, s13  }
0x29: {  	[hbm:s13] =	stream.linear.scatter [tilespmem:s14], [sflag:$0x3], $0x200, $0x38;
	[tilespmem:$0x500] =	vst v63  }
.LBB2_5:
0x2a: {  	s15 =	sadd.s32 $0x1000, s11  }
0x2b: {  	p2 =	sgt.s32 s15, $0x2EFF  }
0x2c: {  	s15 =	smov.u32 @p2 s3;
	p2 =	sne.s32 s12, s9  }
.Ltmp1:
0x2d: {  	p1 =	slt.u32 s12, $0x2;
	(pc) =	sbr.rel @!p2 .LBB2_6-.Ltmp1, $4  }
0x2e: {  	s14 =	simm.s32 @!p1 $0x3  }
0x2f: {  	s16 =	sadd.s32 $0x1, s12;
	_ =	swait.ge @!p1 [sflag:s14], $0x200  }
0x30: {  	s13 =	smov.u32 s11;
	p0 =	por !p0, !p0;
	[sflag:s14] =	ssyncset.done @!p1 $0x0  }
0x31: {  	s12 =	smov.u32 s16;
	s11 =	smov.u32 s15;
	[sflag:s14] =	ssyncadd.s32 @!p1 $0xFFFFFE00  }
.LBB2_1:
0x32: {  	p1 =	sge.u32 s12, s8  }
0x33: {  	s14 =	sxor.u32 @!p1 $0xFFFFFFFF, s12  }
0x34: {  	s31 =	sadd.s32 $0xFFFFFFFF, s12;
	s15 =	sshrl.u32 @!p1 s11, $0x3;
	s14 =	sshll.u32 @!p1 s14, $0x7  }
0x35: {  	s16 =	sand.u32 @!p1 $0x7, s11;
	s15 =	sadd.s32 @!p1 s4, s15;
	s14 =	sand.u32 @!p1 $0x80, s14  }
0x36: {  	[tilespmem:s14], [sflag:$0x2] =	stream.linear.gather @!p1 [hbm4b:s15+s16], $0x80, $0x38;
	[tilespmem:$0x500] =	vst v63  }
0x37: {  	p1 =	sge.u32 s31, s8  }
.Ltmp2:
0x38: {  	_ = 	snop;
	(pc) =	sbr.rel @p1 .LBB2_5-.Ltmp2, $1  }
0x39: {  	_ =	sdelay $0x3  }
0x3a: {  	s14 =	simm.s32 $0x1  }
0x3b: {  	_ =	swait.ge [sflag:s7], $0x80;
	s14 =	simm.s32 @!p0 $0x0  }
0x3c: {  	[sflag:s7] =	ssyncset.done $0x0;
	s15 =	sshll.u32 s14, $0x7  }
0x3d: {  	[sflag:s7] =	ssyncadd.s32 $0xFFFFFF80;
	s16 =	sadd.s32 $0x0, s15  }
0x3e: {  	v2 =	vld.msk [tilespmem:s16+$0x0 ss:$0x1], $0xffff;
	_ =	sdelay $0x3  }
0x3f: {  	s18 =	ssub.s32 $0x2EE0, s13  }
0x40: {  	p1 =	slt.s32 s18, $0x80;
	v3 =	vshrl.u32 v2, $0x1  }
0x41: {  	s18 =	simm.s32 @!p1 $0x80;
	v4 =	vand.u32 $0x1, v2;
	vm1 =	veq.s32 v2, $0x80000000;
	v2 =	vand.u32 $0x3FFFF, v3  }
0x42: {  	p1 =	sgt.s32 s18, $0x0;
	s16 =	smov.u32 s18;
	vm2 =	veq.s32 v4, $0x1;
	v2 =	vsel vm1, $0xFFFFFFFF, v2  }
0x43: {  	s16 =	simm.s32 @!p1 $0x0;
	v3 =	vsel vm2, $0xFFC00, v0;
	v61 =	vshll.u32 v2, $0x2  }
0x44: {  	s16 =	smin.u32 s16, $0x10;
	v3 =	vsel vm1, $0xFFF00400, v3;
	v4 =	vand.u32 $0xFFFFFE00, v61  }
0x45: {  	v62 =	vmov s16;
	v2 =	vand.u32 $0x7F, v2;
	v3 =	vadd.s32 v3, v4  }
0x46: {  	vm1 =	vgt.u32 v62, v1;
	v2 =	vor.u32 v2, v3  }
0x47: {  	v3 =	vnsel vm1, $0x7FFFFFFF, v2;
	_ =	sdelay $0x1  }
0x48: {  	s14 =	sshll.u32 s14, $0x9;
	v63 =	vor.u32 $0x80, v2  }
0x49: {  	(ifvalue) =	ssetifvalue $0x7FFFFFFF;
	s16 =	sor.u32 $0x100, s14;
	v4 =	vnsel vm1, $0x7FFFFFFF, v63  }
0x4a: {  	(ifvalue) =	ssetifvalue $0x7FFFFFFF;
	s19 =	sadd.s32 $0x0, s16  }
0x4b: {  	v5 =	vor.u32 $0x100, v2;
	[tilespmem:s19], [sflag:$0x1] =	stream.indirect_vreg.gather [hbm4b:s2+s10], $0x1, v3, vm0, $0x4038;
	[tilespmem:$0x500] =	vst v63  }
0x4c: {  	(ifvalue) =	ssetifvalue $0x7FFFFFFF;
	v3 =	vnsel vm1, $0x7FFFFFFF, v5  }
0x4d: {  	s17 =	sadd.s32 $0x80, s19;
	(ifvalue) =	ssetifvalue $0x7FFFFFFF  }
0x4e: {  	v2 =	vor.u32 $0x180, v2;
	[tilespmem:s17], [sflag:$0x1] =	stream.indirect_vreg.gather [hbm4b:s2+s10], $0x1, v4, vm0, $0x4038;
	[tilespmem:$0x500] =	vst v63  }
0x4f: {  	s30 =	sshll.u32 s12, $0x9;
	s20 =	simm.s32 $0x80;
	v2 =	vnsel vm1, $0x7FFFFFFF, v2;
	(ifvalue) =	ssetifvalue $0x7FFFFFFF  }
0x50: {  	s14 =	sand.u32 $0x200, s30;
	s31 =	sadd.s32 $0x100, s19;
	(ifvalue) =	ssetifvalue $0x7FFFFFFF  }
0x51: {  	[tilespmem:s31], [sflag:$0x1] =	stream.indirect_vreg.gather [hbm4b:s2+s10], $0x1, v3, vm0, $0x4038;
	[tilespmem:$0x500] =	vst v63  }
0x52: {  	s18 =	sadd.s32 $0xFFFFFFF0, s18;
	s14 =	sor.u32 $0x100, s14;
	(ifvalue) =	ssetifvalue $0x7FFFFFFF  }
0x53: {  	s21 =	sadd.s32 $0x180, s19;
	s17 =	simm.s32 $0x10;
	(ifvalue) =	ssetifvalue $0x7FFFFFFF  }
.LBB2_3:
0x54: {  	[tilespmem:s21], [sflag:$0x1] =	stream.indirect_vreg.gather [hbm4b:s2+s10], $0x1, v2, vm0, $0x4038;
	[tilespmem:$0x500] =	vst v63  }
0x55: {  	s19 =	smov.u32 s20  }
0x56: {  	s22 =	sadd.s32 s17, s15;
	s21 =	sshra.s32 s19, $0x2;
	s19 =	sadd.s32 $0x40, s20  }
0x57: {  	p1 =	sne.s32 s20, $0x1C0;
	v2 =	vld.msk [tilespmem:s22+$0x0 ss:$0x1], $0xffff  }
0x58: {  	(ifvalue) =	ssetifvalue $0x7FFFFFFF;
	_ =	sdelay $0x4  }
0x59: {  	v3 =	vshrl.u32 v2, $0x1;
	v4 =	vand.u32 $0x1, v2  }
0x5a: {  	vm1 =	veq.s32 v2, $0x80000000;
	v2 =	vand.u32 $0x3FFFF, v3;
	vm2 =	veq.s32 v4, $0x1  }
0x5b: {  	p2 =	sgt.s32 s18, $0x0;
	s20 =	smov.u32 s18;
	v2 =	vsel vm1, $0xFFFFFFFF, v2;
	v3 =	vsel vm2, $0xFFC00, v0  }
0x5c: {  	s20 =	simm.s32 @!p2 $0x0;
	v3 =	vsel vm1, $0xFFF00400, v3;
	v4 =	vshll.u32 v2, $0x2  }
0x5d: {  	s20 =	smin.u32 s20, $0x10;
	v4 =	vand.u32 $0xFFFFFE00, v4  }
0x5e: {  	v2 =	vand.u32 $0x7F, v2;
	v3 =	vadd.s32 v3, v4;
	v4 =	vmov s20  }
0x5f: {  	v2 =	vor.u32 v2, v3;
	vm1 =	vgt.u32 v4, v1  }
0x60: {  	v3 =	vnsel vm1, $0x7FFFFFFF, v2;
	v4 =	vor.u32 $0x80, v2;
	v5 =	vor.u32 $0x100, v2  }
0x61: {  	v2 =	vor.u32 $0x180, v2;
	_ =	sdelay $0x1  }
0x62: {  	v4 =	vnsel vm1, $0x7FFFFFFF, v4  }
0x63: {  	s20 =	sadd.s32 s17, s16;
	s17 =	smov.u32 s21;
	(ifvalue) =	ssetifvalue $0x7FFFFFFF  }
0x64: {  	[tilespmem:s20], [sflag:$0x1] =	stream.indirect_vreg.gather [hbm4b:s2+s10], $0x1, v3, vm0, $0x4038;
	[tilespmem:$0x500] =	vst v63  }
0x65: {  	v3 =	vnsel vm1, $0x7FFFFFFF, v5;
	(ifvalue) =	ssetifvalue $0x7FFFFFFF  }
0x66: {  	s21 =	sadd.s32 $0x80, s20;
	(ifvalue) =	ssetifvalue $0x7FFFFFFF  }
0x67: {  	[tilespmem:s21], [sflag:$0x1] =	stream.indirect_vreg.gather [hbm4b:s2+s10], $0x1, v4, vm0, $0x4038;
	[tilespmem:$0x500] =	vst v63  }
.Ltmp3:
0x68: {  	v2 =	vnsel vm1, $0x7FFFFFFF, v2;
	(ifvalue) =	ssetifvalue $0x7FFFFFFF;
	(pc) =	sbr.rel @p1 .LBB2_3-.Ltmp3, $4  }
0x69: {  	s21 =	sadd.s32 $0x100, s20;
	(ifvalue) =	ssetifvalue $0x7FFFFFFF  }
0x6a: {  	[tilespmem:s21], [sflag:$0x1] =	stream.indirect_vreg.gather [hbm4b:s2+s10], $0x1, v3, vm0, $0x4038;
	[tilespmem:$0x500] =	vst v63  }
0x6b: {  	s18 =	sadd.s32 $0xFFFFFFF0, s18;
	(ifvalue) =	ssetifvalue $0x7FFFFFFF  }
0x6c: {  	s21 =	sadd.s32 $0x180, s20;
	s20 =	smov.u32 s19;
	(ifvalue) =	ssetifvalue $0x7FFFFFFF  }
.Ltmp4:
0x6d: {  	_ = 	snop;
	(pc) =	sbr.rel .LBB2_4-.Ltmp4, $1  }
0x6e: {  	_ =	sdelay $0x3  }
.LBB2_6:
0x6f: {  	_ =	sfence.sel $0x180000  }
0x70: {  	s2 =	simm.s32 $0x2;
	[bflag:$0x0] =	sbarrier.arrive $0xFFFF  }
0x71: {  	s30 =	simm.s32 $0x3;
	[sflag:s2] =	ssyncpa.u1 $0x1  }
0x72: {  	s31 =	simm.s32 $0x1;
	[sflag:s30] =	ssyncpa.u1 $0x1  }
0x73: {  	[sflag:s31] =	ssyncpa.u1 $0x1  }
0x74: {  	p0 =	sne.s32 s0, $0x0;
	_ =	strace $0x90000047  }
0x75: {  	s0 =	sadd.s32 @!p0 $0x100000, s1;
	[bflag:$0x2] =	sbarrier.arrive $0xFFFF  }
0x76: {  	[sflag:s0] =	ssyncadd.tile.s32 @!p0 $0x1;
	_ =	shalt  }
.Lfunc_end2:
_tile_overlayer_lowered:
.L_overlay_start_2:
0x77: {  	(tag) =	ssettag $0x2  }
0x78: {  	s0 =	rddreg [dreg:$0x0];
	s2 =	stileid.u32  }
0x79: {  	s1 =	rddreg [dreg:$0x1];
	p0 =	sne.s32 s2, $0x0  }
0x7a: {  	s3 =	rddreg [dreg:$0x2];
	[bflag:$0x3] =	sbarrier.arrive $0xFFFF;
	s2 =	simm.s32 @!p0 $0x1C01  }
0x7b: {  	[timem:s3], [sflag:s2] =	dma.local @!p0 [hbm:s0], s1  }
0x7c: {  	s0 =	simm.s32 @!p0 $0x1  }
0x7d: {  	_ =	swait.ge @!p0 [sflag:s0], s1  }
0x7e: {  	s1 =	ssub.s32 @!p0 $0x0, s1;
	[sflag:s0] =	ssyncset.done @!p0 $0x0  }
0x7f: {  	[sflag:s0] =	ssyncadd.s32 @!p0 s1  }
0x80: {  	[bflag:$0x3] =	sbarrier.arrive $0xFFFF  }
0x81: {  	_ =	shalt  }

</sc_bundles>
